<compile_context>
chip_gen: v7x
topology: tpu7x:2x2x1
jax: 0.10.2.dev20260603
libtpu: 0.0.44.dev20260713+nightly
codegen_flags: <defaults>
</compile_context>

<pallas_src>
import functools

import jax
import jax.numpy as jnp
from jax import lax
from jax.experimental import pallas as pl
from jax.experimental.pallas import tpu as pltpu
from jax.experimental.pallas import tpu_sc as plsc

NC = 2
NS = 16
L = 16
NW = NC * NS
EMB = 32
NEG = 5
IDX_CHUNK = 128


def _sc_scores(u_emb, v_emb, u, v, neg_flat):
    B = u.shape[0]
    b_per_w = B // NW
    nneg_w = b_per_w * NEG
    mesh = plsc.VectorSubcoreMesh(core_axis_name="c", subcore_axis_name="s")

    @functools.partial(
        pl.kernel,
        mesh=mesh,
        compiler_params=pltpu.CompilerParams(
            needs_layout_passes=False, use_tc_tiling_on_sc=False),
        out_type=[
            jax.ShapeDtypeStruct((B,), jnp.float32),
            jax.ShapeDtypeStruct((B,), jnp.float32),
        ],
        scratch_types=[
            pltpu.VMEM((b_per_w,), jnp.int32),
            pltpu.VMEM((b_per_w,), jnp.int32),
            pltpu.VMEM((nneg_w,), jnp.int32),
            pltpu.VMEM((b_per_w, EMB), jnp.float32),
            pltpu.VMEM((b_per_w, EMB), jnp.float32),
            pltpu.VMEM((nneg_w, EMB), jnp.float32),
            pltpu.VMEM((b_per_w,), jnp.float32),
            pltpu.VMEM((b_per_w,), jnp.float32),
            pltpu.SemaphoreType.DMA,
        ],
    )
    def sc_kernel(u_emb_hbm, v_emb_hbm, u_hbm, v_hbm, neg_hbm,
                  pos_hbm, negs_hbm,
                  uidx, vidx, nidx, urows, vrows, nrows, pos_s, neg_s, sem):
        wid = lax.axis_index("s") * NC + lax.axis_index("c")
        base = wid * b_per_w
        nbase = wid * nneg_w

        pltpu.sync_copy(u_hbm.at[pl.ds(base, b_per_w)], uidx)
        pltpu.sync_copy(v_hbm.at[pl.ds(base, b_per_w)], vidx)
        pltpu.sync_copy(neg_hbm.at[pl.ds(nbase, nneg_w)], nidx)

        copies = []
        for c in range(b_per_w // IDX_CHUNK):
            s = pl.ds(c * IDX_CHUNK, IDX_CHUNK)
            copies.append(pltpu.async_copy(u_emb_hbm.at[uidx.at[s]], urows.at[s], sem))
            copies.append(pltpu.async_copy(v_emb_hbm.at[vidx.at[s]], vrows.at[s], sem))
        for c in range(nneg_w // IDX_CHUNK):
            s = pl.ds(c * IDX_CHUNK, IDX_CHUNK)
            copies.append(pltpu.async_copy(v_emb_hbm.at[nidx.at[s]], nrows.at[s], sem))
        for cp in copies:
            cp.wait()

        lane = lax.iota(jnp.int32, L)
        zero = jnp.zeros((L,), jnp.float32)

        def group(g, carry):
            rows16 = g * L + lane
            nrow0 = rows16 * NEG

            def jbody(j, accs):
                ap, an = accs
                cj = jnp.full((L,), j, dtype=jnp.int32)
                uj = plsc.load_gather(urows, [rows16, cj])
                vj = plsc.load_gather(vrows, [rows16, cj])
                nj = plsc.load_gather(nrows, [nrow0, cj])
                for n in range(1, NEG):
                    nj = nj + plsc.load_gather(nrows, [nrow0 + n, cj])
                return ap + uj * vj, an + uj * nj

            ap, an = lax.fori_loop(0, EMB, jbody, (zero, zero))
            pos_s[pl.ds(g * L, L)] = ap
            neg_s[pl.ds(g * L, L)] = an
            return carry

        lax.fori_loop(0, b_per_w // L, group, 0)

        pltpu.sync_copy(pos_s, pos_hbm.at[pl.ds(base, b_per_w)])
        pltpu.sync_copy(neg_s, negs_hbm.at[pl.ds(base, b_per_w)])

    return sc_kernel(u_emb, v_emb, u, v, neg_flat)


def _tc_loss(pos, neg):
    B = pos.size
    p2 = pos.reshape(128, B // 128)
    n2 = neg.reshape(128, B // 128)

    def body(p_ref, n_ref, o_ref):
        p = jnp.clip(p_ref[...], -10.0, 10.0)
        n = jnp.clip(n_ref[...], -10.0, 10.0)
        val = jnp.log1p(jnp.exp(-p)) + jnp.log1p(jnp.exp(n))
        o_ref[...] = jnp.full((1, 1), jnp.sum(val) / B, jnp.float32)

    return pl.pallas_call(
        body,
        out_shape=jax.ShapeDtypeStruct((1, 1), jnp.float32),
    )(p2, n2)


def kernel(u_emb, v_emb, u, v, neg_v):
    pos, negs = _sc_scores(
        u_emb, v_emb,
        u.astype(jnp.int32), v.astype(jnp.int32),
        neg_v.reshape(-1).astype(jnp.int32),
    )
    return _tc_loss(pos, negs)[0, 0]

# --- scband reference (transcript-rebuilt; emitter-appended) ---
"""Pipeline reference for scband-heterogeneous-skip-gram-32530082300267 (READ-ONLY COPY).

The authoritative reference and input builder live on the scoring server;
editing this copy changes nothing except your own understanding.
"""

import jax, jax.numpy as jnp
import numpy as np

VOCAB = 1000000
EMB = 32
B = 16384
NEG = 5

def setup_inputs(seed: int = 0) -> dict:
    key = jax.random.key(seed)
    k1, k2, k3, k4, k5 = jax.random.split(key, 5)
    u = jax.random.randint(k1, (B,), 0, VOCAB, dtype=jnp.int64 if jax.config.jax_enable_x64 else jnp.int32)
    v = jax.random.randint(k2, (B,), 0, VOCAB, dtype=jnp.int64 if jax.config.jax_enable_x64 else jnp.int32)
    neg_v = jax.random.randint(k3, (B, NEG), 0, VOCAB, dtype=jnp.int64 if jax.config.jax_enable_x64 else jnp.int32)
    u_emb = jax.random.normal(k4, (VOCAB, EMB), dtype=jnp.float32) * 0.01
    v_emb = jax.random.normal(k5, (VOCAB, EMB), dtype=jnp.float32) * 0.01
    return {"u_emb": u_emb, "v_emb": v_emb, "u": u, "v": v, "neg_v": neg_v}

def reference(u_emb, v_emb, u, v, neg_v):
    # u_embedded = self.u_embedding(u)
    u_embedded = jnp.take(u_emb, u, axis=0)          # [B, EMB]
    # v_embedded = self.v_embedding(v)
    v_embedded = jnp.take(v_emb, v, axis=0)          # [B, EMB]
    # neg_v_embedded = self.v_embedding(neg_v)
    neg_v_embedded = jnp.take(v_emb, neg_v, axis=0)  # [B, NEG, EMB]

    # score = sum(u_embedded * v_embedded, dim=1); clamp; logsigmoid; squeeze
    score = jnp.sum(u_embedded * v_embedded, axis=1)  # [B]
    score = jnp.clip(score, -10.0, 10.0)
    logits = jax.nn.log_sigmoid(score)                # [B] (squeeze is no-op)

    # neg_score = sum(bmm(neg_v_embedded, u_embedded.unsqueeze(2)), dim=1)
    neg_score = jnp.sum(jnp.matmul(neg_v_embedded, u_embedded[:, :, None]), axis=1)  # [B, 1]
    neg_score = jnp.clip(neg_score, -10.0, 10.0)
    neg_logits = jnp.squeeze(jax.nn.log_sigmoid(-neg_score), axis=1)  # [B]

    return -jnp.mean(logits + neg_logits)

if __name__ == "__main__":
    import jax
    _d = setup_inputs()
    print(jax.jit(kernel)(*tuple(_d.values())))

</pallas_src>

<mosaic_0001>
#map = affine_map<(d0, d1) -> (0, 0)>
#map1 = affine_map<(d0, d1) -> (0)>
module attributes {stable_mosaic.version = 14 : i64} {
  func.func @sc_kernel(%arg0: i32, %arg1: i32, %arg2: memref<1000000x32xf32, #tpu.memory_space<hbm>>, %arg3: memref<1000000x32xf32, #tpu.memory_space<hbm>>, %arg4: memref<16384xi32, #tpu.memory_space<hbm>>, %arg5: memref<16384xi32, #tpu.memory_space<hbm>>, %arg6: memref<81920xi32, #tpu.memory_space<hbm>>, %arg7: memref<16384xf32, #tpu.memory_space<hbm>>, %arg8: memref<16384xf32, #tpu.memory_space<hbm>>, %arg9: memref<512xi32, #tpu.memory_space<vmem>>, %arg10: memref<512xi32, #tpu.memory_space<vmem>>, %arg11: memref<2560xi32, #tpu.memory_space<vmem>>, %arg12: memref<512x32xf32, #tpu.memory_space<vmem>>, %arg13: memref<512x32xf32, #tpu.memory_space<vmem>>, %arg14: memref<2560x32xf32, #tpu.memory_space<vmem>>, %arg15: memref<512xf32, #tpu.memory_space<vmem>>, %arg16: memref<512xf32, #tpu.memory_space<vmem>>, %arg17: memref<!tpu.dma_semaphore, #tpu.memory_space<semaphore_mem>>) attributes {dimension_semantics = [#tpu.dimension_semantics<core_parallel>, #tpu.dimension_semantics<subcore_parallel>], iteration_bounds = array<i64: 2, 16>, scalar_prefetch = 0 : i64, scratch_operands = 9 : i64, tpu.core_type = #tpu.core_type<sc_vector_subcore>, window_params = [{transform_indices = #map}, {transform_indices = #map}, {transform_indices = #map1}, {transform_indices = #map1}, {transform_indices = #map1}, {transform_indices = #map1}, {transform_indices = #map1}]} {
    %mul3A = arith.constant 2 : i32
    %mul3A_0 = arith.muli %arg1, %mul3A : i32
    %add3A = arith.addi %mul3A_0, %arg0 : i32
    %mul3A_1 = arith.constant 512 : i32
    %mul3A_2 = arith.muli %add3A, %mul3A_1 : i32
    %mul3A_3 = arith.constant 2560 : i32
    %mul3A_4 = arith.muli %add3A, %mul3A_3 : i32
    "tpu.region"() ({
      %run_scoped3A = tpu.sem_alloc : memref<!tpu.dma_semaphore, #tpu.memory_space<semaphore_mem>>
      %dma_start3A_457 = tpu.memref_slice %arg4[%mul3A_2] : memref<16384xi32, #tpu.memory_space<hbm>> -> memref<512xi32, #tpu.memory_space<hbm>>
      %dma_start3A_458 = tpu.memref_slice %arg4[%mul3A_2] : memref<16384xi32, #tpu.memory_space<hbm>> -> memref<512xi32, #tpu.memory_space<hbm>>
      tpu.enqueue_dma source(%dma_start3A_458 : memref<512xi32, #tpu.memory_space<hbm>>) target(%arg9 : memref<512xi32, #tpu.memory_space<vmem>>) target_semaphore(%run_scoped3A : memref<!tpu.dma_semaphore, #tpu.memory_space<semaphore_mem>>)
      %dma_wait3A_459 = tpu.memref_slice %arg4[%mul3A_2] : memref<16384xi32, #tpu.memory_space<hbm>> -> memref<512xi32, #tpu.memory_space<hbm>>
      %dma_wait3A_460 = tpu.memref_slice %arg4[%mul3A_2] : memref<16384xi32, #tpu.memory_space<hbm>> -> memref<512xi32, #tpu.memory_space<hbm>>
      tpu.wait_dma2 semaphore(%run_scoped3A : memref<!tpu.dma_semaphore, #tpu.memory_space<semaphore_mem>>) src(%dma_wait3A_460 : memref<512xi32, #tpu.memory_space<hbm>>) dst(%arg9 : memref<512xi32, #tpu.memory_space<vmem>>)
      tpu.yield
    }) : () -> ()
    "tpu.region"() ({
      %run_scoped3A = tpu.sem_alloc : memref<!tpu.dma_semaphore, #tpu.memory_space<semaphore_mem>>
      %dma_start3A_457 = tpu.memref_slice %arg5[%mul3A_2] : memref<16384xi32, #tpu.memory_space<hbm>> -> memref<512xi32, #tpu.memory_space<hbm>>
      %dma_start3A_458 = tpu.memref_slice %arg5[%mul3A_2] : memref<16384xi32, #tpu.memory_space<hbm>> -> memref<512xi32, #tpu.memory_space<hbm>>
      tpu.enqueue_dma source(%dma_start3A_458 : memref<512xi32, #tpu.memory_space<hbm>>) target(%arg10 : memref<512xi32, #tpu.memory_space<vmem>>) target_semaphore(%run_scoped3A : memref<!tpu.dma_semaphore, #tpu.memory_space<semaphore_mem>>)
      %dma_wait3A_459 = tpu.memref_slice %arg5[%mul3A_2] : memref<16384xi32, #tpu.memory_space<hbm>> -> memref<512xi32, #tpu.memory_space<hbm>>
      %dma_wait3A_460 = tpu.memref_slice %arg5[%mul3A_2] : memref<16384xi32, #tpu.memory_space<hbm>> -> memref<512xi32, #tpu.memory_space<hbm>>
      tpu.wait_dma2 semaphore(%run_scoped3A : memref<!tpu.dma_semaphore, #tpu.memory_space<semaphore_mem>>) src(%dma_wait3A_460 : memref<512xi32, #tpu.memory_space<hbm>>) dst(%arg10 : memref<512xi32, #tpu.memory_space<vmem>>)
      tpu.yield
    }) : () -> ()
    "tpu.region"() ({
      %run_scoped3A = tpu.sem_alloc : memref<!tpu.dma_semaphore, #tpu.memory_space<semaphore_mem>>
      %dma_start3A_457 = tpu.memref_slice %arg6[%mul3A_4] : memref<81920xi32, #tpu.memory_space<hbm>> -> memref<2560xi32, #tpu.memory_space<hbm>>
      %dma_start3A_458 = tpu.memref_slice %arg6[%mul3A_4] : memref<81920xi32, #tpu.memory_space<hbm>> -> memref<2560xi32, #tpu.memory_space<hbm>>
      tpu.enqueue_dma source(%dma_start3A_458 : memref<2560xi32, #tpu.memory_space<hbm>>) target(%arg11 : memref<2560xi32, #tpu.memory_space<vmem>>) target_semaphore(%run_scoped3A : memref<!tpu.dma_semaphore, #tpu.memory_space<semaphore_mem>>)
      %dma_wait3A_459 = tpu.memref_slice %arg6[%mul3A_4] : memref<81920xi32, #tpu.memory_space<hbm>> -> memref<2560xi32, #tpu.memory_space<hbm>>
      %dma_wait3A_460 = tpu.memref_slice %arg6[%mul3A_4] : memref<81920xi32, #tpu.memory_space<hbm>> -> memref<2560xi32, #tpu.memory_space<hbm>>
      tpu.wait_dma2 semaphore(%run_scoped3A : memref<!tpu.dma_semaphore, #tpu.memory_space<semaphore_mem>>) src(%dma_wait3A_460 : memref<2560xi32, #tpu.memory_space<hbm>>) dst(%arg11 : memref<2560xi32, #tpu.memory_space<vmem>>)
      tpu.yield
    }) : () -> ()
    %dma_start3A = arith.constant 0 : i32
    %dma_start3A_5 = arith.constant 0 : i32
    %dma_start3A_6 = tpu.memref_slice %arg12[%dma_start3A, %dma_start3A_5] : memref<512x32xf32, #tpu.memory_space<vmem>> -> memref<128x32xf32, #tpu.memory_space<vmem>>
    %dma_start3A_7 = arith.constant 0 : i32
    %dma_start3A_8 = tpu.memref_slice %arg9[%dma_start3A_7] : memref<512xi32, #tpu.memory_space<vmem>> -> memref<128xi32, #tpu.memory_space<vmem>>
    %dma_start3A_9 = arith.constant 0 : i32
    %dma_start3A_10 = arith.constant 0 : i32
    %dma_start3A_11 = tpu.memref_slice %arg2[%dma_start3A_9, %dma_start3A_10] : memref<1000000x32xf32, #tpu.memory_space<hbm>> -> memref<1000000x32xf32, #tpu.memory_space<hbm>>
    tpu.enqueue_indirect_dma source(%dma_start3A_11 : memref<1000000x32xf32, #tpu.memory_space<hbm>>) target(%dma_start3A_6 : memref<128x32xf32, #tpu.memory_space<vmem>>) offsets(%dma_start3A_8 : memref<128xi32, #tpu.memory_space<vmem>>) semaphore(%arg17 : memref<!tpu.dma_semaphore, #tpu.memory_space<semaphore_mem>>)
    %dma_start3A_12 = arith.constant 0 : i32
    %dma_start3A_13 = arith.constant 0 : i32
    %dma_start3A_14 = tpu.memref_slice %arg13[%dma_start3A_12, %dma_start3A_13] : memref<512x32xf32, #tpu.memory_space<vmem>> -> memref<128x32xf32, #tpu.memory_space<vmem>>
    %dma_start3A_15 = arith.constant 0 : i32
    %dma_start3A_16 = tpu.memref_slice %arg10[%dma_start3A_15] : memref<512xi32, #tpu.memory_space<vmem>> -> memref<128xi32, #tpu.memory_space<vmem>>
    %dma_start3A_17 = arith.constant 0 : i32
    %dma_start3A_18 = arith.constant 0 : i32
    %dma_start3A_19 = tpu.memref_slice %arg3[%dma_start3A_17, %dma_start3A_18] : memref<1000000x32xf32, #tpu.memory_space<hbm>> -> memref<1000000x32xf32, #tpu.memory_space<hbm>>
    tpu.enqueue_indirect_dma source(%dma_start3A_19 : memref<1000000x32xf32, #tpu.memory_space<hbm>>) target(%dma_start3A_14 : memref<128x32xf32, #tpu.memory_space<vmem>>) offsets(%dma_start3A_16 : memref<128xi32, #tpu.memory_space<vmem>>) semaphore(%arg17 : memref<!tpu.dma_semaphore, #tpu.memory_space<semaphore_mem>>)
    %dma_start3A_20 = arith.constant 128 : i32
    %dma_start3A_21 = arith.constant 0 : i32
    %dma_start3A_22 = tpu.memref_slice %arg12[%dma_start3A_20, %dma_start3A_21] : memref<512x32xf32, #tpu.memory_space<vmem>> -> memref<128x32xf32, #tpu.memory_space<vmem>>
    %dma_start3A_23 = arith.constant 128 : i32
    %dma_start3A_24 = tpu.memref_slice %arg9[%dma_start3A_23] : memref<512xi32, #tpu.memory_space<vmem>> -> memref<128xi32, #tpu.memory_space<vmem>>
    %dma_start3A_25 = arith.constant 0 : i32
    %dma_start3A_26 = arith.constant 0 : i32
    %dma_start3A_27 = tpu.memref_slice %arg2[%dma_start3A_25, %dma_start3A_26] : memref<1000000x32xf32, #tpu.memory_space<hbm>> -> memref<1000000x32xf32, #tpu.memory_space<hbm>>
    tpu.enqueue_indirect_dma source(%dma_start3A_27 : memref<1000000x32xf32, #tpu.memory_space<hbm>>) target(%dma_start3A_22 : memref<128x32xf32, #tpu.memory_space<vmem>>) offsets(%dma_start3A_24 : memref<128xi32, #tpu.memory_space<vmem>>) semaphore(%arg17 : memref<!tpu.dma_semaphore, #tpu.memory_space<semaphore_mem>>)
    %dma_start3A_28 = arith.constant 128 : i32
    %dma_start3A_29 = arith.constant 0 : i32
    %dma_start3A_30 = tpu.memref_slice %arg13[%dma_start3A_28, %dma_start3A_29] : memref<512x32xf32, #tpu.memory_space<vmem>> -> memref<128x32xf32, #tpu.memory_space<vmem>>
    %dma_start3A_31 = arith.constant 128 : i32
    %dma_start3A_32 = tpu.memref_slice %arg10[%dma_start3A_31] : memref<512xi32, #tpu.memory_space<vmem>> -> memref<128xi32, #tpu.memory_space<vmem>>
    %dma_start3A_33 = arith.constant 0 : i32
    %dma_start3A_34 = arith.constant 0 : i32
    %dma_start3A_35 = tpu.memref_slice %arg3[%dma_start3A_33, %dma_start3A_34] : memref<1000000x32xf32, #tpu.memory_space<hbm>> -> memref<1000000x32xf32, #tpu.memory_space<hbm>>
    tpu.enqueue_indirect_dma source(%dma_start3A_35 : memref<1000000x32xf32, #tpu.memory_space<hbm>>) target(%dma_start3A_30 : memref<128x32xf32, #tpu.memory_space<vmem>>) offsets(%dma_start3A_32 : memref<128xi32, #tpu.memory_space<vmem>>) semaphore(%arg17 : memref<!tpu.dma_semaphore, #tpu.memory_space<semaphore_mem>>)
    %dma_start3A_36 = arith.constant 256 : i32
    %dma_start3A_37 = arith.constant 0 : i32
    %dma_start3A_38 = tpu.memref_slice %arg12[%dma_start3A_36, %dma_start3A_37] : memref<512x32xf32, #tpu.memory_space<vmem>> -> memref<128x32xf32, #tpu.memory_space<vmem>>
    %dma_start3A_39 = arith.constant 256 : i32
    %dma_start3A_40 = tpu.memref_slice %arg9[%dma_start3A_39] : memref<512xi32, #tpu.memory_space<vmem>> -> memref<128xi32, #tpu.memory_space<vmem>>
    %dma_start3A_41 = arith.constant 0 : i32
    %dma_start3A_42 = arith.constant 0 : i32
    %dma_start3A_43 = tpu.memref_slice %arg2[%dma_start3A_41, %dma_start3A_42] : memref<1000000x32xf32, #tpu.memory_space<hbm>> -> memref<1000000x32xf32, #tpu.memory_space<hbm>>
    tpu.enqueue_indirect_dma source(%dma_start3A_43 : memref<1000000x32xf32, #tpu.memory_space<hbm>>) target(%dma_start3A_38 : memref<128x32xf32, #tpu.memory_space<vmem>>) offsets(%dma_start3A_40 : memref<128xi32, #tpu.memory_space<vmem>>) semaphore(%arg17 : memref<!tpu.dma_semaphore, #tpu.memory_space<semaphore_mem>>)
    %dma_start3A_44 = arith.constant 256 : i32
    %dma_start3A_45 = arith.constant 0 : i32
    %dma_start3A_46 = tpu.memref_slice %arg13[%dma_start3A_44, %dma_start3A_45] : memref<512x32xf32, #tpu.memory_space<vmem>> -> memref<128x32xf32, #tpu.memory_space<vmem>>
    %dma_start3A_47 = arith.constant 256 : i32
    %dma_start3A_48 = tpu.memref_slice %arg10[%dma_start3A_47] : memref<512xi32, #tpu.memory_space<vmem>> -> memref<128xi32, #tpu.memory_space<vmem>>
    %dma_start3A_49 = arith.constant 0 : i32
    %dma_start3A_50 = arith.constant 0 : i32
    %dma_start3A_51 = tpu.memref_slice %arg3[%dma_start3A_49, %dma_start3A_50] : memref<1000000x32xf32, #tpu.memory_space<hbm>> -> memref<1000000x32xf32, #tpu.memory_space<hbm>>
    tpu.enqueue_indirect_dma source(%dma_start3A_51 : memref<1000000x32xf32, #tpu.memory_space<hbm>>) target(%dma_start3A_46 : memref<128x32xf32, #tpu.memory_space<vmem>>) offsets(%dma_start3A_48 : memref<128xi32, #tpu.memory_space<vmem>>) semaphore(%arg17 : memref<!tpu.dma_semaphore, #tpu.memory_space<semaphore_mem>>)
    %dma_start3A_52 = arith.constant 384 : i32
    %dma_start3A_53 = arith.constant 0 : i32
    %dma_start3A_54 = tpu.memref_slice %arg12[%dma_start3A_52, %dma_start3A_53] : memref<512x32xf32, #tpu.memory_space<vmem>> -> memref<128x32xf32, #tpu.memory_space<vmem>>
    %dma_start3A_55 = arith.constant 384 : i32
    %dma_start3A_56 = tpu.memref_slice %arg9[%dma_start3A_55] : memref<512xi32, #tpu.memory_space<vmem>> -> memref<128xi32, #tpu.memory_space<vmem>>
    %dma_start3A_57 = arith.constant 0 : i32
    %dma_start3A_58 = arith.constant 0 : i32
    %dma_start3A_59 = tpu.memref_slice %arg2[%dma_start3A_57, %dma_start3A_58] : memref<1000000x32xf32, #tpu.memory_space<hbm>> -> memref<1000000x32xf32, #tpu.memory_space<hbm>>
    tpu.enqueue_indirect_dma source(%dma_start3A_59 : memref<1000000x32xf32, #tpu.memory_space<hbm>>) target(%dma_start3A_54 : memref<128x32xf32, #tpu.memory_space<vmem>>) offsets(%dma_start3A_56 : memref<128xi32, #tpu.memory_space<vmem>>) semaphore(%arg17 : memref<!tpu.dma_semaphore, #tpu.memory_space<semaphore_mem>>)
    %dma_start3A_60 = arith.constant 384 : i32
    %dma_start3A_61 = arith.constant 0 : i32
    %dma_start3A_62 = tpu.memref_slice %arg13[%dma_start3A_60, %dma_start3A_61] : memref<512x32xf32, #tpu.memory_space<vmem>> -> memref<128x32xf32, #tpu.memory_space<vmem>>
    %dma_start3A_63 = arith.constant 384 : i32
    %dma_start3A_64 = tpu.memref_slice %arg10[%dma_start3A_63] : memref<512xi32, #tpu.memory_space<vmem>> -> memref<128xi32, #tpu.memory_space<vmem>>
    %dma_start3A_65 = arith.constant 0 : i32
    %dma_start3A_66 = arith.constant 0 : i32
    %dma_start3A_67 = tpu.memref_slice %arg3[%dma_start3A_65, %dma_start3A_66] : memref<1000000x32xf32, #tpu.memory_space<hbm>> -> memref<1000000x32xf32, #tpu.memory_space<hbm>>
    tpu.enqueue_indirect_dma source(%dma_start3A_67 : memref<1000000x32xf32, #tpu.memory_space<hbm>>) target(%dma_start3A_62 : memref<128x32xf32, #tpu.memory_space<vmem>>) offsets(%dma_start3A_64 : memref<128xi32, #tpu.memory_space<vmem>>) semaphore(%arg17 : memref<!tpu.dma_semaphore, #tpu.memory_space<semaphore_mem>>)
    %dma_start3A_68 = arith.constant 0 : i32
    %dma_start3A_69 = arith.constant 0 : i32
    %dma_start3A_70 = tpu.memref_slice %arg14[%dma_start3A_68, %dma_start3A_69] : memref<2560x32xf32, #tpu.memory_space<vmem>> -> memref<128x32xf32, #tpu.memory_space<vmem>>
    %dma_start3A_71 = arith.constant 0 : i32
    %dma_start3A_72 = tpu.memref_slice %arg11[%dma_start3A_71] : memref<2560xi32, #tpu.memory_space<vmem>> -> memref<128xi32, #tpu.memory_space<vmem>>
    %dma_start3A_73 = arith.constant 0 : i32
    %dma_start3A_74 = arith.constant 0 : i32
    %dma_start3A_75 = tpu.memref_slice %arg3[%dma_start3A_73, %dma_start3A_74] : memref<1000000x32xf32, #tpu.memory_space<hbm>> -> memref<1000000x32xf32, #tpu.memory_space<hbm>>
    tpu.enqueue_indirect_dma source(%dma_start3A_75 : memref<1000000x32xf32, #tpu.memory_space<hbm>>) target(%dma_start3A_70 : memref<128x32xf32, #tpu.memory_space<vmem>>) offsets(%dma_start3A_72 : memref<128xi32, #tpu.memory_space<vmem>>) semaphore(%arg17 : memref<!tpu.dma_semaphore, #tpu.memory_space<semaphore_mem>>)
    %dma_start3A_76 = arith.constant 128 : i32
    %dma_start3A_77 = arith.constant 0 : i32
    %dma_start3A_78 = tpu.memref_slice %arg14[%dma_start3A_76, %dma_start3A_77] : memref<2560x32xf32, #tpu.memory_space<vmem>> -> memref<128x32xf32, #tpu.memory_space<vmem>>
    %dma_start3A_79 = arith.constant 128 : i32
    %dma_start3A_80 = tpu.memref_slice %arg11[%dma_start3A_79] : memref<2560xi32, #tpu.memory_space<vmem>> -> memref<128xi32, #tpu.memory_space<vmem>>
    %dma_start3A_81 = arith.constant 0 : i32
    %dma_start3A_82 = arith.constant 0 : i32
    %dma_start3A_83 = tpu.memref_slice %arg3[%dma_start3A_81, %dma_start3A_82] : memref<1000000x32xf32, #tpu.memory_space<hbm>> -> memref<1000000x32xf32, #tpu.memory_space<hbm>>
    tpu.enqueue_indirect_dma source(%dma_start3A_83 : memref<1000000x32xf32, #tpu.memory_space<hbm>>) target(%dma_start3A_78 : memref<128x32xf32, #tpu.memory_space<vmem>>) offsets(%dma_start3A_80 : memref<128xi32, #tpu.memory_space<vmem>>) semaphore(%arg17 : memref<!tpu.dma_semaphore, #tpu.memory_space<semaphore_mem>>)
    %dma_start3A_84 = arith.constant 256 : i32
    %dma_start3A_85 = arith.constant 0 : i32
    %dma_start3A_86 = tpu.memref_slice %arg14[%dma_start3A_84, %dma_start3A_85] : memref<2560x32xf32, #tpu.memory_space<vmem>> -> memref<128x32xf32, #tpu.memory_space<vmem>>
    %dma_start3A_87 = arith.constant 256 : i32
    %dma_start3A_88 = tpu.memref_slice %arg11[%dma_start3A_87] : memref<2560xi32, #tpu.memory_space<vmem>> -> memref<128xi32, #tpu.memory_space<vmem>>
    %dma_start3A_89 = arith.constant 0 : i32
    %dma_start3A_90 = arith.constant 0 : i32
    %dma_start3A_91 = tpu.memref_slice %arg3[%dma_start3A_89, %dma_start3A_90] : memref<1000000x32xf32, #tpu.memory_space<hbm>> -> memref<1000000x32xf32, #tpu.memory_space<hbm>>
    tpu.enqueue_indirect_dma source(%dma_start3A_91 : memref<1000000x32xf32, #tpu.memory_space<hbm>>) target(%dma_start3A_86 : memref<128x32xf32, #tpu.memory_space<vmem>>) offsets(%dma_start3A_88 : memref<128xi32, #tpu.memory_space<vmem>>) semaphore(%arg17 : memref<!tpu.dma_semaphore, #tpu.memory_space<semaphore_mem>>)
    %dma_start3A_92 = arith.constant 384 : i32
    %dma_start3A_93 = arith.constant 0 : i32
    %dma_start3A_94 = tpu.memref_slice %arg14[%dma_start3A_92, %dma_start3A_93] : memref<2560x32xf32, #tpu.memory_space<vmem>> -> memref<128x32xf32, #tpu.memory_space<vmem>>
    %dma_start3A_95 = arith.constant 384 : i32
    %dma_start3A_96 = tpu.memref_slice %arg11[%dma_start3A_95] : memref<2560xi32, #tpu.memory_space<vmem>> -> memref<128xi32, #tpu.memory_space<vmem>>
    %dma_start3A_97 = arith.constant 0 : i32
    %dma_start3A_98 = arith.constant 0 : i32
    %dma_start3A_99 = tpu.memref_slice %arg3[%dma_start3A_97, %dma_start3A_98] : memref<1000000x32xf32, #tpu.memory_space<hbm>> -> memref<1000000x32xf32, #tpu.memory_space<hbm>>
    tpu.enqueue_indirect_dma source(%dma_start3A_99 : memref<1000000x32xf32, #tpu.memory_space<hbm>>) target(%dma_start3A_94 : memref<128x32xf32, #tpu.memory_space<vmem>>) offsets(%dma_start3A_96 : memref<128xi32, #tpu.memory_space<vmem>>) semaphore(%arg17 : memref<!tpu.dma_semaphore, #tpu.memory_space<semaphore_mem>>)
    %dma_start3A_100 = arith.constant 512 : i32
    %dma_start3A_101 = arith.constant 0 : i32
    %dma_start3A_102 = tpu.memref_slice %arg14[%dma_start3A_100, %dma_start3A_101] : memref<2560x32xf32, #tpu.memory_space<vmem>> -> memref<128x32xf32, #tpu.memory_space<vmem>>
    %dma_start3A_103 = arith.constant 512 : i32
    %dma_start3A_104 = tpu.memref_slice %arg11[%dma_start3A_103] : memref<2560xi32, #tpu.memory_space<vmem>> -> memref<128xi32, #tpu.memory_space<vmem>>
    %dma_start3A_105 = arith.constant 0 : i32
    %dma_start3A_106 = arith.constant 0 : i32
    %dma_start3A_107 = tpu.memref_slice %arg3[%dma_start3A_105, %dma_start3A_106] : memref<1000000x32xf32, #tpu.memory_space<hbm>> -> memref<1000000x32xf32, #tpu.memory_space<hbm>>
    tpu.enqueue_indirect_dma source(%dma_start3A_107 : memref<1000000x32xf32, #tpu.memory_space<hbm>>) target(%dma_start3A_102 : memref<128x32xf32, #tpu.memory_space<vmem>>) offsets(%dma_start3A_104 : memref<128xi32, #tpu.memory_space<vmem>>) semaphore(%arg17 : memref<!tpu.dma_semaphore, #tpu.memory_space<semaphore_mem>>)
    %dma_start3A_108 = arith.constant 640 : i32
    %dma_start3A_109 = arith.constant 0 : i32
    %dma_start3A_110 = tpu.memref_slice %arg14[%dma_start3A_108, %dma_start3A_109] : memref<2560x32xf32, #tpu.memory_space<vmem>> -> memref<128x32xf32, #tpu.memory_space<vmem>>
    %dma_start3A_111 = arith.constant 640 : i32
    %dma_start3A_112 = tpu.memref_slice %arg11[%dma_start3A_111] : memref<2560xi32, #tpu.memory_space<vmem>> -> memref<128xi32, #tpu.memory_space<vmem>>
    %dma_start3A_113 = arith.constant 0 : i32
    %dma_start3A_114 = arith.constant 0 : i32
    %dma_start3A_115 = tpu.memref_slice %arg3[%dma_start3A_113, %dma_start3A_114] : memref<1000000x32xf32, #tpu.memory_space<hbm>> -> memref<1000000x32xf32, #tpu.memory_space<hbm>>
    tpu.enqueue_indirect_dma source(%dma_start3A_115 : memref<1000000x32xf32, #tpu.memory_space<hbm>>) target(%dma_start3A_110 : memref<128x32xf32, #tpu.memory_space<vmem>>) offsets(%dma_start3A_112 : memref<128xi32, #tpu.memory_space<vmem>>) semaphore(%arg17 : memref<!tpu.dma_semaphore, #tpu.memory_space<semaphore_mem>>)
    %dma_start3A_116 = arith.constant 768 : i32
    %dma_start3A_117 = arith.constant 0 : i32
    %dma_start3A_118 = tpu.memref_slice %arg14[%dma_start3A_116, %dma_start3A_117] : memref<2560x32xf32, #tpu.memory_space<vmem>> -> memref<128x32xf32, #tpu.memory_space<vmem>>
    %dma_start3A_119 = arith.constant 768 : i32
    %dma_start3A_120 = tpu.memref_slice %arg11[%dma_start3A_119] : memref<2560xi32, #tpu.memory_space<vmem>> -> memref<128xi32, #tpu.memory_space<vmem>>
    %dma_start3A_121 = arith.constant 0 : i32
    %dma_start3A_122 = arith.constant 0 : i32
    %dma_start3A_123 = tpu.memref_slice %arg3[%dma_start3A_121, %dma_start3A_122] : memref<1000000x32xf32, #tpu.memory_space<hbm>> -> memref<1000000x32xf32, #tpu.memory_space<hbm>>
    tpu.enqueue_indirect_dma source(%dma_start3A_123 : memref<1000000x32xf32, #tpu.memory_space<hbm>>) target(%dma_start3A_118 : memref<128x32xf32, #tpu.memory_space<vmem>>) offsets(%dma_start3A_120 : memref<128xi32, #tpu.memory_space<vmem>>) semaphore(%arg17 : memref<!tpu.dma_semaphore, #tpu.memory_space<semaphore_mem>>)
    %dma_start3A_124 = arith.constant 896 : i32
    %dma_start3A_125 = arith.constant 0 : i32
    %dma_start3A_126 = tpu.memref_slice %arg14[%dma_start3A_124, %dma_start3A_125] : memref<2560x32xf32, #tpu.memory_space<vmem>> -> memref<128x32xf32, #tpu.memory_space<vmem>>
    %dma_start3A_127 = arith.constant 896 : i32
    %dma_start3A_128 = tpu.memref_slice %arg11[%dma_start3A_127] : memref<2560xi32, #tpu.memory_space<vmem>> -> memref<128xi32, #tpu.memory_space<vmem>>
    %dma_start3A_129 = arith.constant 0 : i32
    %dma_start3A_130 = arith.constant 0 : i32
    %dma_start3A_131 = tpu.memref_slice %arg3[%dma_start3A_129, %dma_start3A_130] : memref<1000000x32xf32, #tpu.memory_space<hbm>> -> memref<1000000x32xf32, #tpu.memory_space<hbm>>
    tpu.enqueue_indirect_dma source(%dma_start3A_131 : memref<1000000x32xf32, #tpu.memory_space<hbm>>) target(%dma_start3A_126 : memref<128x32xf32, #tpu.memory_space<vmem>>) offsets(%dma_start3A_128 : memref<128xi32, #tpu.memory_space<vmem>>) semaphore(%arg17 : memref<!tpu.dma_semaphore, #tpu.memory_space<semaphore_mem>>)
    %dma_start3A_132 = arith.constant 1024 : i32
    %dma_start3A_133 = arith.constant 0 : i32
    %dma_start3A_134 = tpu.memref_slice %arg14[%dma_start3A_132, %dma_start3A_133] : memref<2560x32xf32, #tpu.memory_space<vmem>> -> memref<128x32xf32, #tpu.memory_space<vmem>>
    %dma_start3A_135 = arith.constant 1024 : i32
    %dma_start3A_136 = tpu.memref_slice %arg11[%dma_start3A_135] : memref<2560xi32, #tpu.memory_space<vmem>> -> memref<128xi32, #tpu.memory_space<vmem>>
    %dma_start3A_137 = arith.constant 0 : i32
    %dma_start3A_138 = arith.constant 0 : i32
    %dma_start3A_139 = tpu.memref_slice %arg3[%dma_start3A_137, %dma_start3A_138] : memref<1000000x32xf32, #tpu.memory_space<hbm>> -> memref<1000000x32xf32, #tpu.memory_space<hbm>>
    tpu.enqueue_indirect_dma source(%dma_start3A_139 : memref<1000000x32xf32, #tpu.memory_space<hbm>>) target(%dma_start3A_134 : memref<128x32xf32, #tpu.memory_space<vmem>>) offsets(%dma_start3A_136 : memref<128xi32, #tpu.memory_space<vmem>>) semaphore(%arg17 : memref<!tpu.dma_semaphore, #tpu.memory_space<semaphore_mem>>)
    %dma_start3A_140 = arith.constant 1152 : i32
    %dma_start3A_141 = arith.constant 0 : i32
    %dma_start3A_142 = tpu.memref_slice %arg14[%dma_start3A_140, %dma_start3A_141] : memref<2560x32xf32, #tpu.memory_space<vmem>> -> memref<128x32xf32, #tpu.memory_space<vmem>>
    %dma_start3A_143 = arith.constant 1152 : i32
    %dma_start3A_144 = tpu.memref_slice %arg11[%dma_start3A_143] : memref<2560xi32, #tpu.memory_space<vmem>> -> memref<128xi32, #tpu.memory_space<vmem>>
    %dma_start3A_145 = arith.constant 0 : i32
    %dma_start3A_146 = arith.constant 0 : i32
    %dma_start3A_147 = tpu.memref_slice %arg3[%dma_start3A_145, %dma_start3A_146] : memref<1000000x32xf32, #tpu.memory_space<hbm>> -> memref<1000000x32xf32, #tpu.memory_space<hbm>>
    tpu.enqueue_indirect_dma source(%dma_start3A_147 : memref<1000000x32xf32, #tpu.memory_space<hbm>>) target(%dma_start3A_142 : memref<128x32xf32, #tpu.memory_space<vmem>>) offsets(%dma_start3A_144 : memref<128xi32, #tpu.memory_space<vmem>>) semaphore(%arg17 : memref<!tpu.dma_semaphore, #tpu.memory_space<semaphore_mem>>)
    %dma_start3A_148 = arith.constant 1280 : i32
    %dma_start3A_149 = arith.constant 0 : i32
    %dma_start3A_150 = tpu.memref_slice %arg14[%dma_start3A_148, %dma_start3A_149] : memref<2560x32xf32, #tpu.memory_space<vmem>> -> memref<128x32xf32, #tpu.memory_space<vmem>>
    %dma_start3A_151 = arith.constant 1280 : i32
    %dma_start3A_152 = tpu.memref_slice %arg11[%dma_start3A_151] : memref<2560xi32, #tpu.memory_space<vmem>> -> memref<128xi32, #tpu.memory_space<vmem>>
    %dma_start3A_153 = arith.constant 0 : i32
    %dma_start3A_154 = arith.constant 0 : i32
    %dma_start3A_155 = tpu.memref_slice %arg3[%dma_start3A_153, %dma_start3A_154] : memref<1000000x32xf32, #tpu.memory_space<hbm>> -> memref<1000000x32xf32, #tpu.memory_space<hbm>>
    tpu.enqueue_indirect_dma source(%dma_start3A_155 : memref<1000000x32xf32, #tpu.memory_space<hbm>>) target(%dma_start3A_150 : memref<128x32xf32, #tpu.memory_space<vmem>>) offsets(%dma_start3A_152 : memref<128xi32, #tpu.memory_space<vmem>>) semaphore(%arg17 : memref<!tpu.dma_semaphore, #tpu.memory_space<semaphore_mem>>)
    %dma_start3A_156 = arith.constant 1408 : i32
    %dma_start3A_157 = arith.constant 0 : i32
    %dma_start3A_158 = tpu.memref_slice %arg14[%dma_start3A_156, %dma_start3A_157] : memref<2560x32xf32, #tpu.memory_space<vmem>> -> memref<128x32xf32, #tpu.memory_space<vmem>>
    %dma_start3A_159 = arith.constant 1408 : i32
    %dma_start3A_160 = tpu.memref_slice %arg11[%dma_start3A_159] : memref<2560xi32, #tpu.memory_space<vmem>> -> memref<128xi32, #tpu.memory_space<vmem>>
    %dma_start3A_161 = arith.constant 0 : i32
    %dma_start3A_162 = arith.constant 0 : i32
    %dma_start3A_163 = tpu.memref_slice %arg3[%dma_start3A_161, %dma_start3A_162] : memref<1000000x32xf32, #tpu.memory_space<hbm>> -> memref<1000000x32xf32, #tpu.memory_space<hbm>>
    tpu.enqueue_indirect_dma source(%dma_start3A_163 : memref<1000000x32xf32, #tpu.memory_space<hbm>>) target(%dma_start3A_158 : memref<128x32xf32, #tpu.memory_space<vmem>>) offsets(%dma_start3A_160 : memref<128xi32, #tpu.memory_space<vmem>>) semaphore(%arg17 : memref<!tpu.dma_semaphore, #tpu.memory_space<semaphore_mem>>)
    %dma_start3A_164 = arith.constant 1536 : i32
    %dma_start3A_165 = arith.constant 0 : i32
    %dma_start3A_166 = tpu.memref_slice %arg14[%dma_start3A_164, %dma_start3A_165] : memref<2560x32xf32, #tpu.memory_space<vmem>> -> memref<128x32xf32, #tpu.memory_space<vmem>>
    %dma_start3A_167 = arith.constant 1536 : i32
    %dma_start3A_168 = tpu.memref_slice %arg11[%dma_start3A_167] : memref<2560xi32, #tpu.memory_space<vmem>> -> memref<128xi32, #tpu.memory_space<vmem>>
    %dma_start3A_169 = arith.constant 0 : i32
    %dma_start3A_170 = arith.constant 0 : i32
    %dma_start3A_171 = tpu.memref_slice %arg3[%dma_start3A_169, %dma_start3A_170] : memref<1000000x32xf32, #tpu.memory_space<hbm>> -> memref<1000000x32xf32, #tpu.memory_space<hbm>>
    tpu.enqueue_indirect_dma source(%dma_start3A_171 : memref<1000000x32xf32, #tpu.memory_space<hbm>>) target(%dma_start3A_166 : memref<128x32xf32, #tpu.memory_space<vmem>>) offsets(%dma_start3A_168 : memref<128xi32, #tpu.memory_space<vmem>>) semaphore(%arg17 : memref<!tpu.dma_semaphore, #tpu.memory_space<semaphore_mem>>)
    %dma_start3A_172 = arith.constant 1664 : i32
    %dma_start3A_173 = arith.constant 0 : i32
    %dma_start3A_174 = tpu.memref_slice %arg14[%dma_start3A_172, %dma_start3A_173] : memref<2560x32xf32, #tpu.memory_space<vmem>> -> memref<128x32xf32, #tpu.memory_space<vmem>>
    %dma_start3A_175 = arith.constant 1664 : i32
    %dma_start3A_176 = tpu.memref_slice %arg11[%dma_start3A_175] : memref<2560xi32, #tpu.memory_space<vmem>> -> memref<128xi32, #tpu.memory_space<vmem>>
    %dma_start3A_177 = arith.constant 0 : i32
    %dma_start3A_178 = arith.constant 0 : i32
    %dma_start3A_179 = tpu.memref_slice %arg3[%dma_start3A_177, %dma_start3A_178] : memref<1000000x32xf32, #tpu.memory_space<hbm>> -> memref<1000000x32xf32, #tpu.memory_space<hbm>>
    tpu.enqueue_indirect_dma source(%dma_start3A_179 : memref<1000000x32xf32, #tpu.memory_space<hbm>>) target(%dma_start3A_174 : memref<128x32xf32, #tpu.memory_space<vmem>>) offsets(%dma_start3A_176 : memref<128xi32, #tpu.memory_space<vmem>>) semaphore(%arg17 : memref<!tpu.dma_semaphore, #tpu.memory_space<semaphore_mem>>)
    %dma_start3A_180 = arith.constant 1792 : i32
    %dma_start3A_181 = arith.constant 0 : i32
    %dma_start3A_182 = tpu.memref_slice %arg14[%dma_start3A_180, %dma_start3A_181] : memref<2560x32xf32, #tpu.memory_space<vmem>> -> memref<128x32xf32, #tpu.memory_space<vmem>>
    %dma_start3A_183 = arith.constant 1792 : i32
    %dma_start3A_184 = tpu.memref_slice %arg11[%dma_start3A_183] : memref<2560xi32, #tpu.memory_space<vmem>> -> memref<128xi32, #tpu.memory_space<vmem>>
    %dma_start3A_185 = arith.constant 0 : i32
    %dma_start3A_186 = arith.constant 0 : i32
    %dma_start3A_187 = tpu.memref_slice %arg3[%dma_start3A_185, %dma_start3A_186] : memref<1000000x32xf32, #tpu.memory_space<hbm>> -> memref<1000000x32xf32, #tpu.memory_space<hbm>>
    tpu.enqueue_indirect_dma source(%dma_start3A_187 : memref<1000000x32xf32, #tpu.memory_space<hbm>>) target(%dma_start3A_182 : memref<128x32xf32, #tpu.memory_space<vmem>>) offsets(%dma_start3A_184 : memref<128xi32, #tpu.memory_space<vmem>>) semaphore(%arg17 : memref<!tpu.dma_semaphore, #tpu.memory_space<semaphore_mem>>)
    %dma_start3A_188 = arith.constant 1920 : i32
    %dma_start3A_189 = arith.constant 0 : i32
    %dma_start3A_190 = tpu.memref_slice %arg14[%dma_start3A_188, %dma_start3A_189] : memref<2560x32xf32, #tpu.memory_space<vmem>> -> memref<128x32xf32, #tpu.memory_space<vmem>>
    %dma_start3A_191 = arith.constant 1920 : i32
    %dma_start3A_192 = tpu.memref_slice %arg11[%dma_start3A_191] : memref<2560xi32, #tpu.memory_space<vmem>> -> memref<128xi32, #tpu.memory_space<vmem>>
    %dma_start3A_193 = arith.constant 0 : i32
    %dma_start3A_194 = arith.constant 0 : i32
    %dma_start3A_195 = tpu.memref_slice %arg3[%dma_start3A_193, %dma_start3A_194] : memref<1000000x32xf32, #tpu.memory_space<hbm>> -> memref<1000000x32xf32, #tpu.memory_space<hbm>>
    tpu.enqueue_indirect_dma source(%dma_start3A_195 : memref<1000000x32xf32, #tpu.memory_space<hbm>>) target(%dma_start3A_190 : memref<128x32xf32, #tpu.memory_space<vmem>>) offsets(%dma_start3A_192 : memref<128xi32, #tpu.memory_space<vmem>>) semaphore(%arg17 : memref<!tpu.dma_semaphore, #tpu.memory_space<semaphore_mem>>)
    %dma_start3A_196 = arith.constant 2048 : i32
    %dma_start3A_197 = arith.constant 0 : i32
    %dma_start3A_198 = tpu.memref_slice %arg14[%dma_start3A_196, %dma_start3A_197] : memref<2560x32xf32, #tpu.memory_space<vmem>> -> memref<128x32xf32, #tpu.memory_space<vmem>>
    %dma_start3A_199 = arith.constant 2048 : i32
    %dma_start3A_200 = tpu.memref_slice %arg11[%dma_start3A_199] : memref<2560xi32, #tpu.memory_space<vmem>> -> memref<128xi32, #tpu.memory_space<vmem>>
    %dma_start3A_201 = arith.constant 0 : i32
    %dma_start3A_202 = arith.constant 0 : i32
    %dma_start3A_203 = tpu.memref_slice %arg3[%dma_start3A_201, %dma_start3A_202] : memref<1000000x32xf32, #tpu.memory_space<hbm>> -> memref<1000000x32xf32, #tpu.memory_space<hbm>>
    tpu.enqueue_indirect_dma source(%dma_start3A_203 : memref<1000000x32xf32, #tpu.memory_space<hbm>>) target(%dma_start3A_198 : memref<128x32xf32, #tpu.memory_space<vmem>>) offsets(%dma_start3A_200 : memref<128xi32, #tpu.memory_space<vmem>>) semaphore(%arg17 : memref<!tpu.dma_semaphore, #tpu.memory_space<semaphore_mem>>)
    %dma_start3A_204 = arith.constant 2176 : i32
    %dma_start3A_205 = arith.constant 0 : i32
    %dma_start3A_206 = tpu.memref_slice %arg14[%dma_start3A_204, %dma_start3A_205] : memref<2560x32xf32, #tpu.memory_space<vmem>> -> memref<128x32xf32, #tpu.memory_space<vmem>>
    %dma_start3A_207 = arith.constant 2176 : i32
    %dma_start3A_208 = tpu.memref_slice %arg11[%dma_start3A_207] : memref<2560xi32, #tpu.memory_space<vmem>> -> memref<128xi32, #tpu.memory_space<vmem>>
    %dma_start3A_209 = arith.constant 0 : i32
    %dma_start3A_210 = arith.constant 0 : i32
    %dma_start3A_211 = tpu.memref_slice %arg3[%dma_start3A_209, %dma_start3A_210] : memref<1000000x32xf32, #tpu.memory_space<hbm>> -> memref<1000000x32xf32, #tpu.memory_space<hbm>>
    tpu.enqueue_indirect_dma source(%dma_start3A_211 : memref<1000000x32xf32, #tpu.memory_space<hbm>>) target(%dma_start3A_206 : memref<128x32xf32, #tpu.memory_space<vmem>>) offsets(%dma_start3A_208 : memref<128xi32, #tpu.memory_space<vmem>>) semaphore(%arg17 : memref<!tpu.dma_semaphore, #tpu.memory_space<semaphore_mem>>)
    %dma_start3A_212 = arith.constant 2304 : i32
    %dma_start3A_213 = arith.constant 0 : i32
    %dma_start3A_214 = tpu.memref_slice %arg14[%dma_start3A_212, %dma_start3A_213] : memref<2560x32xf32, #tpu.memory_space<vmem>> -> memref<128x32xf32, #tpu.memory_space<vmem>>
    %dma_start3A_215 = arith.constant 2304 : i32
    %dma_start3A_216 = tpu.memref_slice %arg11[%dma_start3A_215] : memref<2560xi32, #tpu.memory_space<vmem>> -> memref<128xi32, #tpu.memory_space<vmem>>
    %dma_start3A_217 = arith.constant 0 : i32
    %dma_start3A_218 = arith.constant 0 : i32
    %dma_start3A_219 = tpu.memref_slice %arg3[%dma_start3A_217, %dma_start3A_218] : memref<1000000x32xf32, #tpu.memory_space<hbm>> -> memref<1000000x32xf32, #tpu.memory_space<hbm>>
    tpu.enqueue_indirect_dma source(%dma_start3A_219 : memref<1000000x32xf32, #tpu.memory_space<hbm>>) target(%dma_start3A_214 : memref<128x32xf32, #tpu.memory_space<vmem>>) offsets(%dma_start3A_216 : memref<128xi32, #tpu.memory_space<vmem>>) semaphore(%arg17 : memref<!tpu.dma_semaphore, #tpu.memory_space<semaphore_mem>>)
    %dma_start3A_220 = arith.constant 2432 : i32
    %dma_start3A_221 = arith.constant 0 : i32
    %dma_start3A_222 = tpu.memref_slice %arg14[%dma_start3A_220, %dma_start3A_221] : memref<2560x32xf32, #tpu.memory_space<vmem>> -> memref<128x32xf32, #tpu.memory_space<vmem>>
    %dma_start3A_223 = arith.constant 2432 : i32
    %dma_start3A_224 = tpu.memref_slice %arg11[%dma_start3A_223] : memref<2560xi32, #tpu.memory_space<vmem>> -> memref<128xi32, #tpu.memory_space<vmem>>
    %dma_start3A_225 = arith.constant 0 : i32
    %dma_start3A_226 = arith.constant 0 : i32
    %dma_start3A_227 = tpu.memref_slice %arg3[%dma_start3A_225, %dma_start3A_226] : memref<1000000x32xf32, #tpu.memory_space<hbm>> -> memref<1000000x32xf32, #tpu.memory_space<hbm>>
    tpu.enqueue_indirect_dma source(%dma_start3A_227 : memref<1000000x32xf32, #tpu.memory_space<hbm>>) target(%dma_start3A_222 : memref<128x32xf32, #tpu.memory_space<vmem>>) offsets(%dma_start3A_224 : memref<128xi32, #tpu.memory_space<vmem>>) semaphore(%arg17 : memref<!tpu.dma_semaphore, #tpu.memory_space<semaphore_mem>>)
    %dma_wait3A = arith.constant 0 : i32
    %dma_wait3A_228 = arith.constant 0 : i32
    %dma_wait3A_229 = tpu.memref_slice %arg12[%dma_wait3A, %dma_wait3A_228] : memref<512x32xf32, #tpu.memory_space<vmem>> -> memref<128x32xf32, #tpu.memory_space<vmem>>
    %dma_wait3A_230 = arith.constant 0 : i32
    %dma_wait3A_231 = tpu.memref_slice %arg9[%dma_wait3A_230] : memref<512xi32, #tpu.memory_space<vmem>> -> memref<128xi32, #tpu.memory_space<vmem>>
    %dma_wait3A_232 = arith.constant 0 : i32
    %dma_wait3A_233 = arith.constant 0 : i32
    %dma_wait3A_234 = tpu.memref_slice %arg2[%dma_wait3A_232, %dma_wait3A_233] : memref<1000000x32xf32, #tpu.memory_space<hbm>> -> memref<1000000x32xf32, #tpu.memory_space<hbm>>
    tpu.wait_indirect_dma semaphore(%arg17 : memref<!tpu.dma_semaphore, #tpu.memory_space<semaphore_mem>>) src(%dma_wait3A_234 : memref<1000000x32xf32, #tpu.memory_space<hbm>>) dst(%dma_wait3A_229 : memref<128x32xf32, #tpu.memory_space<vmem>>)
    %dma_wait3A_235 = arith.constant 0 : i32
    %dma_wait3A_236 = arith.constant 0 : i32
    %dma_wait3A_237 = tpu.memref_slice %arg13[%dma_wait3A_235, %dma_wait3A_236] : memref<512x32xf32, #tpu.memory_space<vmem>> -> memref<128x32xf32, #tpu.memory_space<vmem>>
    %dma_wait3A_238 = arith.constant 0 : i32
    %dma_wait3A_239 = tpu.memref_slice %arg10[%dma_wait3A_238] : memref<512xi32, #tpu.memory_space<vmem>> -> memref<128xi32, #tpu.memory_space<vmem>>
    %dma_wait3A_240 = arith.constant 0 : i32
    %dma_wait3A_241 = arith.constant 0 : i32
    %dma_wait3A_242 = tpu.memref_slice %arg3[%dma_wait3A_240, %dma_wait3A_241] : memref<1000000x32xf32, #tpu.memory_space<hbm>> -> memref<1000000x32xf32, #tpu.memory_space<hbm>>
    tpu.wait_indirect_dma semaphore(%arg17 : memref<!tpu.dma_semaphore, #tpu.memory_space<semaphore_mem>>) src(%dma_wait3A_242 : memref<1000000x32xf32, #tpu.memory_space<hbm>>) dst(%dma_wait3A_237 : memref<128x32xf32, #tpu.memory_space<vmem>>)
    %dma_wait3A_243 = arith.constant 128 : i32
    %dma_wait3A_244 = arith.constant 0 : i32
    %dma_wait3A_245 = tpu.memref_slice %arg12[%dma_wait3A_243, %dma_wait3A_244] : memref<512x32xf32, #tpu.memory_space<vmem>> -> memref<128x32xf32, #tpu.memory_space<vmem>>
    %dma_wait3A_246 = arith.constant 128 : i32
    %dma_wait3A_247 = tpu.memref_slice %arg9[%dma_wait3A_246] : memref<512xi32, #tpu.memory_space<vmem>> -> memref<128xi32, #tpu.memory_space<vmem>>
    %dma_wait3A_248 = arith.constant 0 : i32
    %dma_wait3A_249 = arith.constant 0 : i32
    %dma_wait3A_250 = tpu.memref_slice %arg2[%dma_wait3A_248, %dma_wait3A_249] : memref<1000000x32xf32, #tpu.memory_space<hbm>> -> memref<1000000x32xf32, #tpu.memory_space<hbm>>
    tpu.wait_indirect_dma semaphore(%arg17 : memref<!tpu.dma_semaphore, #tpu.memory_space<semaphore_mem>>) src(%dma_wait3A_250 : memref<1000000x32xf32, #tpu.memory_space<hbm>>) dst(%dma_wait3A_245 : memref<128x32xf32, #tpu.memory_space<vmem>>)
    %dma_wait3A_251 = arith.constant 128 : i32
    %dma_wait3A_252 = arith.constant 0 : i32
    %dma_wait3A_253 = tpu.memref_slice %arg13[%dma_wait3A_251, %dma_wait3A_252] : memref<512x32xf32, #tpu.memory_space<vmem>> -> memref<128x32xf32, #tpu.memory_space<vmem>>
    %dma_wait3A_254 = arith.constant 128 : i32
    %dma_wait3A_255 = tpu.memref_slice %arg10[%dma_wait3A_254] : memref<512xi32, #tpu.memory_space<vmem>> -> memref<128xi32, #tpu.memory_space<vmem>>
    %dma_wait3A_256 = arith.constant 0 : i32
    %dma_wait3A_257 = arith.constant 0 : i32
    %dma_wait3A_258 = tpu.memref_slice %arg3[%dma_wait3A_256, %dma_wait3A_257] : memref<1000000x32xf32, #tpu.memory_space<hbm>> -> memref<1000000x32xf32, #tpu.memory_space<hbm>>
    tpu.wait_indirect_dma semaphore(%arg17 : memref<!tpu.dma_semaphore, #tpu.memory_space<semaphore_mem>>) src(%dma_wait3A_258 : memref<1000000x32xf32, #tpu.memory_space<hbm>>) dst(%dma_wait3A_253 : memref<128x32xf32, #tpu.memory_space<vmem>>)
    %dma_wait3A_259 = arith.constant 256 : i32
    %dma_wait3A_260 = arith.constant 0 : i32
    %dma_wait3A_261 = tpu.memref_slice %arg12[%dma_wait3A_259, %dma_wait3A_260] : memref<512x32xf32, #tpu.memory_space<vmem>> -> memref<128x32xf32, #tpu.memory_space<vmem>>
    %dma_wait3A_262 = arith.constant 256 : i32
    %dma_wait3A_263 = tpu.memref_slice %arg9[%dma_wait3A_262] : memref<512xi32, #tpu.memory_space<vmem>> -> memref<128xi32, #tpu.memory_space<vmem>>
    %dma_wait3A_264 = arith.constant 0 : i32
    %dma_wait3A_265 = arith.constant 0 : i32
    %dma_wait3A_266 = tpu.memref_slice %arg2[%dma_wait3A_264, %dma_wait3A_265] : memref<1000000x32xf32, #tpu.memory_space<hbm>> -> memref<1000000x32xf32, #tpu.memory_space<hbm>>
    tpu.wait_indirect_dma semaphore(%arg17 : memref<!tpu.dma_semaphore, #tpu.memory_space<semaphore_mem>>) src(%dma_wait3A_266 : memref<1000000x32xf32, #tpu.memory_space<hbm>>) dst(%dma_wait3A_261 : memref<128x32xf32, #tpu.memory_space<vmem>>)
    %dma_wait3A_267 = arith.constant 256 : i32
    %dma_wait3A_268 = arith.constant 0 : i32
    %dma_wait3A_269 = tpu.memref_slice %arg13[%dma_wait3A_267, %dma_wait3A_268] : memref<512x32xf32, #tpu.memory_space<vmem>> -> memref<128x32xf32, #tpu.memory_space<vmem>>
    %dma_wait3A_270 = arith.constant 256 : i32
    %dma_wait3A_271 = tpu.memref_slice %arg10[%dma_wait3A_270] : memref<512xi32, #tpu.memory_space<vmem>> -> memref<128xi32, #tpu.memory_space<vmem>>
    %dma_wait3A_272 = arith.constant 0 : i32
    %dma_wait3A_273 = arith.constant 0 : i32
    %dma_wait3A_274 = tpu.memref_slice %arg3[%dma_wait3A_272, %dma_wait3A_273] : memref<1000000x32xf32, #tpu.memory_space<hbm>> -> memref<1000000x32xf32, #tpu.memory_space<hbm>>
    tpu.wait_indirect_dma semaphore(%arg17 : memref<!tpu.dma_semaphore, #tpu.memory_space<semaphore_mem>>) src(%dma_wait3A_274 : memref<1000000x32xf32, #tpu.memory_space<hbm>>) dst(%dma_wait3A_269 : memref<128x32xf32, #tpu.memory_space<vmem>>)
    %dma_wait3A_275 = arith.constant 384 : i32
    %dma_wait3A_276 = arith.constant 0 : i32
    %dma_wait3A_277 = tpu.memref_slice %arg12[%dma_wait3A_275, %dma_wait3A_276] : memref<512x32xf32, #tpu.memory_space<vmem>> -> memref<128x32xf32, #tpu.memory_space<vmem>>
    %dma_wait3A_278 = arith.constant 384 : i32
    %dma_wait3A_279 = tpu.memref_slice %arg9[%dma_wait3A_278] : memref<512xi32, #tpu.memory_space<vmem>> -> memref<128xi32, #tpu.memory_space<vmem>>
    %dma_wait3A_280 = arith.constant 0 : i32
    %dma_wait3A_281 = arith.constant 0 : i32
    %dma_wait3A_282 = tpu.memref_slice %arg2[%dma_wait3A_280, %dma_wait3A_281] : memref<1000000x32xf32, #tpu.memory_space<hbm>> -> memref<1000000x32xf32, #tpu.memory_space<hbm>>
    tpu.wait_indirect_dma semaphore(%arg17 : memref<!tpu.dma_semaphore, #tpu.memory_space<semaphore_mem>>) src(%dma_wait3A_282 : memref<1000000x32xf32, #tpu.memory_space<hbm>>) dst(%dma_wait3A_277 : memref<128x32xf32, #tpu.memory_space<vmem>>)
    %dma_wait3A_283 = arith.constant 384 : i32
    %dma_wait3A_284 = arith.constant 0 : i32
    %dma_wait3A_285 = tpu.memref_slice %arg13[%dma_wait3A_283, %dma_wait3A_284] : memref<512x32xf32, #tpu.memory_space<vmem>> -> memref<128x32xf32, #tpu.memory_space<vmem>>
    %dma_wait3A_286 = arith.constant 384 : i32
    %dma_wait3A_287 = tpu.memref_slice %arg10[%dma_wait3A_286] : memref<512xi32, #tpu.memory_space<vmem>> -> memref<128xi32, #tpu.memory_space<vmem>>
    %dma_wait3A_288 = arith.constant 0 : i32
    %dma_wait3A_289 = arith.constant 0 : i32
    %dma_wait3A_290 = tpu.memref_slice %arg3[%dma_wait3A_288, %dma_wait3A_289] : memref<1000000x32xf32, #tpu.memory_space<hbm>> -> memref<1000000x32xf32, #tpu.memory_space<hbm>>
    tpu.wait_indirect_dma semaphore(%arg17 : memref<!tpu.dma_semaphore, #tpu.memory_space<semaphore_mem>>) src(%dma_wait3A_290 : memref<1000000x32xf32, #tpu.memory_space<hbm>>) dst(%dma_wait3A_285 : memref<128x32xf32, #tpu.memory_space<vmem>>)
    %dma_wait3A_291 = arith.constant 0 : i32
    %dma_wait3A_292 = arith.constant 0 : i32
    %dma_wait3A_293 = tpu.memref_slice %arg14[%dma_wait3A_291, %dma_wait3A_292] : memref<2560x32xf32, #tpu.memory_space<vmem>> -> memref<128x32xf32, #tpu.memory_space<vmem>>
    %dma_wait3A_294 = arith.constant 0 : i32
    %dma_wait3A_295 = tpu.memref_slice %arg11[%dma_wait3A_294] : memref<2560xi32, #tpu.memory_space<vmem>> -> memref<128xi32, #tpu.memory_space<vmem>>
    %dma_wait3A_296 = arith.constant 0 : i32
    %dma_wait3A_297 = arith.constant 0 : i32
    %dma_wait3A_298 = tpu.memref_slice %arg3[%dma_wait3A_296, %dma_wait3A_297] : memref<1000000x32xf32, #tpu.memory_space<hbm>> -> memref<1000000x32xf32, #tpu.memory_space<hbm>>
    tpu.wait_indirect_dma semaphore(%arg17 : memref<!tpu.dma_semaphore, #tpu.memory_space<semaphore_mem>>) src(%dma_wait3A_298 : memref<1000000x32xf32, #tpu.memory_space<hbm>>) dst(%dma_wait3A_293 : memref<128x32xf32, #tpu.memory_space<vmem>>)
    %dma_wait3A_299 = arith.constant 128 : i32
    %dma_wait3A_300 = arith.constant 0 : i32
    %dma_wait3A_301 = tpu.memref_slice %arg14[%dma_wait3A_299, %dma_wait3A_300] : memref<2560x32xf32, #tpu.memory_space<vmem>> -> memref<128x32xf32, #tpu.memory_space<vmem>>
    %dma_wait3A_302 = arith.constant 128 : i32
    %dma_wait3A_303 = tpu.memref_slice %arg11[%dma_wait3A_302] : memref<2560xi32, #tpu.memory_space<vmem>> -> memref<128xi32, #tpu.memory_space<vmem>>
    %dma_wait3A_304 = arith.constant 0 : i32
    %dma_wait3A_305 = arith.constant 0 : i32
    %dma_wait3A_306 = tpu.memref_slice %arg3[%dma_wait3A_304, %dma_wait3A_305] : memref<1000000x32xf32, #tpu.memory_space<hbm>> -> memref<1000000x32xf32, #tpu.memory_space<hbm>>
    tpu.wait_indirect_dma semaphore(%arg17 : memref<!tpu.dma_semaphore, #tpu.memory_space<semaphore_mem>>) src(%dma_wait3A_306 : memref<1000000x32xf32, #tpu.memory_space<hbm>>) dst(%dma_wait3A_301 : memref<128x32xf32, #tpu.memory_space<vmem>>)
    %dma_wait3A_307 = arith.constant 256 : i32
    %dma_wait3A_308 = arith.constant 0 : i32
    %dma_wait3A_309 = tpu.memref_slice %arg14[%dma_wait3A_307, %dma_wait3A_308] : memref<2560x32xf32, #tpu.memory_space<vmem>> -> memref<128x32xf32, #tpu.memory_space<vmem>>
    %dma_wait3A_310 = arith.constant 256 : i32
    %dma_wait3A_311 = tpu.memref_slice %arg11[%dma_wait3A_310] : memref<2560xi32, #tpu.memory_space<vmem>> -> memref<128xi32, #tpu.memory_space<vmem>>
    %dma_wait3A_312 = arith.constant 0 : i32
    %dma_wait3A_313 = arith.constant 0 : i32
    %dma_wait3A_314 = tpu.memref_slice %arg3[%dma_wait3A_312, %dma_wait3A_313] : memref<1000000x32xf32, #tpu.memory_space<hbm>> -> memref<1000000x32xf32, #tpu.memory_space<hbm>>
    tpu.wait_indirect_dma semaphore(%arg17 : memref<!tpu.dma_semaphore, #tpu.memory_space<semaphore_mem>>) src(%dma_wait3A_314 : memref<1000000x32xf32, #tpu.memory_space<hbm>>) dst(%dma_wait3A_309 : memref<128x32xf32, #tpu.memory_space<vmem>>)
    %dma_wait3A_315 = arith.constant 384 : i32
    %dma_wait3A_316 = arith.constant 0 : i32
    %dma_wait3A_317 = tpu.memref_slice %arg14[%dma_wait3A_315, %dma_wait3A_316] : memref<2560x32xf32, #tpu.memory_space<vmem>> -> memref<128x32xf32, #tpu.memory_space<vmem>>
    %dma_wait3A_318 = arith.constant 384 : i32
    %dma_wait3A_319 = tpu.memref_slice %arg11[%dma_wait3A_318] : memref<2560xi32, #tpu.memory_space<vmem>> -> memref<128xi32, #tpu.memory_space<vmem>>
    %dma_wait3A_320 = arith.constant 0 : i32
    %dma_wait3A_321 = arith.constant 0 : i32
    %dma_wait3A_322 = tpu.memref_slice %arg3[%dma_wait3A_320, %dma_wait3A_321] : memref<1000000x32xf32, #tpu.memory_space<hbm>> -> memref<1000000x32xf32, #tpu.memory_space<hbm>>
    tpu.wait_indirect_dma semaphore(%arg17 : memref<!tpu.dma_semaphore, #tpu.memory_space<semaphore_mem>>) src(%dma_wait3A_322 : memref<1000000x32xf32, #tpu.memory_space<hbm>>) dst(%dma_wait3A_317 : memref<128x32xf32, #tpu.memory_space<vmem>>)
    %dma_wait3A_323 = arith.constant 512 : i32
    %dma_wait3A_324 = arith.constant 0 : i32
    %dma_wait3A_325 = tpu.memref_slice %arg14[%dma_wait3A_323, %dma_wait3A_324] : memref<2560x32xf32, #tpu.memory_space<vmem>> -> memref<128x32xf32, #tpu.memory_space<vmem>>
    %dma_wait3A_326 = arith.constant 512 : i32
    %dma_wait3A_327 = tpu.memref_slice %arg11[%dma_wait3A_326] : memref<2560xi32, #tpu.memory_space<vmem>> -> memref<128xi32, #tpu.memory_space<vmem>>
    %dma_wait3A_328 = arith.constant 0 : i32
    %dma_wait3A_329 = arith.constant 0 : i32
    %dma_wait3A_330 = tpu.memref_slice %arg3[%dma_wait3A_328, %dma_wait3A_329] : memref<1000000x32xf32, #tpu.memory_space<hbm>> -> memref<1000000x32xf32, #tpu.memory_space<hbm>>
    tpu.wait_indirect_dma semaphore(%arg17 : memref<!tpu.dma_semaphore, #tpu.memory_space<semaphore_mem>>) src(%dma_wait3A_330 : memref<1000000x32xf32, #tpu.memory_space<hbm>>) dst(%dma_wait3A_325 : memref<128x32xf32, #tpu.memory_space<vmem>>)
    %dma_wait3A_331 = arith.constant 640 : i32
    %dma_wait3A_332 = arith.constant 0 : i32
    %dma_wait3A_333 = tpu.memref_slice %arg14[%dma_wait3A_331, %dma_wait3A_332] : memref<2560x32xf32, #tpu.memory_space<vmem>> -> memref<128x32xf32, #tpu.memory_space<vmem>>
    %dma_wait3A_334 = arith.constant 640 : i32
    %dma_wait3A_335 = tpu.memref_slice %arg11[%dma_wait3A_334] : memref<2560xi32, #tpu.memory_space<vmem>> -> memref<128xi32, #tpu.memory_space<vmem>>
    %dma_wait3A_336 = arith.constant 0 : i32
    %dma_wait3A_337 = arith.constant 0 : i32
    %dma_wait3A_338 = tpu.memref_slice %arg3[%dma_wait3A_336, %dma_wait3A_337] : memref<1000000x32xf32, #tpu.memory_space<hbm>> -> memref<1000000x32xf32, #tpu.memory_space<hbm>>
    tpu.wait_indirect_dma semaphore(%arg17 : memref<!tpu.dma_semaphore, #tpu.memory_space<semaphore_mem>>) src(%dma_wait3A_338 : memref<1000000x32xf32, #tpu.memory_space<hbm>>) dst(%dma_wait3A_333 : memref<128x32xf32, #tpu.memory_space<vmem>>)
    %dma_wait3A_339 = arith.constant 768 : i32
    %dma_wait3A_340 = arith.constant 0 : i32
    %dma_wait3A_341 = tpu.memref_slice %arg14[%dma_wait3A_339, %dma_wait3A_340] : memref<2560x32xf32, #tpu.memory_space<vmem>> -> memref<128x32xf32, #tpu.memory_space<vmem>>
    %dma_wait3A_342 = arith.constant 768 : i32
    %dma_wait3A_343 = tpu.memref_slice %arg11[%dma_wait3A_342] : memref<2560xi32, #tpu.memory_space<vmem>> -> memref<128xi32, #tpu.memory_space<vmem>>
    %dma_wait3A_344 = arith.constant 0 : i32
    %dma_wait3A_345 = arith.constant 0 : i32
    %dma_wait3A_346 = tpu.memref_slice %arg3[%dma_wait3A_344, %dma_wait3A_345] : memref<1000000x32xf32, #tpu.memory_space<hbm>> -> memref<1000000x32xf32, #tpu.memory_space<hbm>>
    tpu.wait_indirect_dma semaphore(%arg17 : memref<!tpu.dma_semaphore, #tpu.memory_space<semaphore_mem>>) src(%dma_wait3A_346 : memref<1000000x32xf32, #tpu.memory_space<hbm>>) dst(%dma_wait3A_341 : memref<128x32xf32, #tpu.memory_space<vmem>>)
    %dma_wait3A_347 = arith.constant 896 : i32
    %dma_wait3A_348 = arith.constant 0 : i32
    %dma_wait3A_349 = tpu.memref_slice %arg14[%dma_wait3A_347, %dma_wait3A_348] : memref<2560x32xf32, #tpu.memory_space<vmem>> -> memref<128x32xf32, #tpu.memory_space<vmem>>
    %dma_wait3A_350 = arith.constant 896 : i32
    %dma_wait3A_351 = tpu.memref_slice %arg11[%dma_wait3A_350] : memref<2560xi32, #tpu.memory_space<vmem>> -> memref<128xi32, #tpu.memory_space<vmem>>
    %dma_wait3A_352 = arith.constant 0 : i32
    %dma_wait3A_353 = arith.constant 0 : i32
    %dma_wait3A_354 = tpu.memref_slice %arg3[%dma_wait3A_352, %dma_wait3A_353] : memref<1000000x32xf32, #tpu.memory_space<hbm>> -> memref<1000000x32xf32, #tpu.memory_space<hbm>>
    tpu.wait_indirect_dma semaphore(%arg17 : memref<!tpu.dma_semaphore, #tpu.memory_space<semaphore_mem>>) src(%dma_wait3A_354 : memref<1000000x32xf32, #tpu.memory_space<hbm>>) dst(%dma_wait3A_349 : memref<128x32xf32, #tpu.memory_space<vmem>>)
    %dma_wait3A_355 = arith.constant 1024 : i32
    %dma_wait3A_356 = arith.constant 0 : i32
    %dma_wait3A_357 = tpu.memref_slice %arg14[%dma_wait3A_355, %dma_wait3A_356] : memref<2560x32xf32, #tpu.memory_space<vmem>> -> memref<128x32xf32, #tpu.memory_space<vmem>>
    %dma_wait3A_358 = arith.constant 1024 : i32
    %dma_wait3A_359 = tpu.memref_slice %arg11[%dma_wait3A_358] : memref<2560xi32, #tpu.memory_space<vmem>> -> memref<128xi32, #tpu.memory_space<vmem>>
    %dma_wait3A_360 = arith.constant 0 : i32
    %dma_wait3A_361 = arith.constant 0 : i32
    %dma_wait3A_362 = tpu.memref_slice %arg3[%dma_wait3A_360, %dma_wait3A_361] : memref<1000000x32xf32, #tpu.memory_space<hbm>> -> memref<1000000x32xf32, #tpu.memory_space<hbm>>
    tpu.wait_indirect_dma semaphore(%arg17 : memref<!tpu.dma_semaphore, #tpu.memory_space<semaphore_mem>>) src(%dma_wait3A_362 : memref<1000000x32xf32, #tpu.memory_space<hbm>>) dst(%dma_wait3A_357 : memref<128x32xf32, #tpu.memory_space<vmem>>)
    %dma_wait3A_363 = arith.constant 1152 : i32
    %dma_wait3A_364 = arith.constant 0 : i32
    %dma_wait3A_365 = tpu.memref_slice %arg14[%dma_wait3A_363, %dma_wait3A_364] : memref<2560x32xf32, #tpu.memory_space<vmem>> -> memref<128x32xf32, #tpu.memory_space<vmem>>
    %dma_wait3A_366 = arith.constant 1152 : i32
    %dma_wait3A_367 = tpu.memref_slice %arg11[%dma_wait3A_366] : memref<2560xi32, #tpu.memory_space<vmem>> -> memref<128xi32, #tpu.memory_space<vmem>>
    %dma_wait3A_368 = arith.constant 0 : i32
    %dma_wait3A_369 = arith.constant 0 : i32
    %dma_wait3A_370 = tpu.memref_slice %arg3[%dma_wait3A_368, %dma_wait3A_369] : memref<1000000x32xf32, #tpu.memory_space<hbm>> -> memref<1000000x32xf32, #tpu.memory_space<hbm>>
    tpu.wait_indirect_dma semaphore(%arg17 : memref<!tpu.dma_semaphore, #tpu.memory_space<semaphore_mem>>) src(%dma_wait3A_370 : memref<1000000x32xf32, #tpu.memory_space<hbm>>) dst(%dma_wait3A_365 : memref<128x32xf32, #tpu.memory_space<vmem>>)
    %dma_wait3A_371 = arith.constant 1280 : i32
    %dma_wait3A_372 = arith.constant 0 : i32
    %dma_wait3A_373 = tpu.memref_slice %arg14[%dma_wait3A_371, %dma_wait3A_372] : memref<2560x32xf32, #tpu.memory_space<vmem>> -> memref<128x32xf32, #tpu.memory_space<vmem>>
    %dma_wait3A_374 = arith.constant 1280 : i32
    %dma_wait3A_375 = tpu.memref_slice %arg11[%dma_wait3A_374] : memref<2560xi32, #tpu.memory_space<vmem>> -> memref<128xi32, #tpu.memory_space<vmem>>
    %dma_wait3A_376 = arith.constant 0 : i32
    %dma_wait3A_377 = arith.constant 0 : i32
    %dma_wait3A_378 = tpu.memref_slice %arg3[%dma_wait3A_376, %dma_wait3A_377] : memref<1000000x32xf32, #tpu.memory_space<hbm>> -> memref<1000000x32xf32, #tpu.memory_space<hbm>>
    tpu.wait_indirect_dma semaphore(%arg17 : memref<!tpu.dma_semaphore, #tpu.memory_space<semaphore_mem>>) src(%dma_wait3A_378 : memref<1000000x32xf32, #tpu.memory_space<hbm>>) dst(%dma_wait3A_373 : memref<128x32xf32, #tpu.memory_space<vmem>>)
    %dma_wait3A_379 = arith.constant 1408 : i32
    %dma_wait3A_380 = arith.constant 0 : i32
    %dma_wait3A_381 = tpu.memref_slice %arg14[%dma_wait3A_379, %dma_wait3A_380] : memref<2560x32xf32, #tpu.memory_space<vmem>> -> memref<128x32xf32, #tpu.memory_space<vmem>>
    %dma_wait3A_382 = arith.constant 1408 : i32
    %dma_wait3A_383 = tpu.memref_slice %arg11[%dma_wait3A_382] : memref<2560xi32, #tpu.memory_space<vmem>> -> memref<128xi32, #tpu.memory_space<vmem>>
    %dma_wait3A_384 = arith.constant 0 : i32
    %dma_wait3A_385 = arith.constant 0 : i32
    %dma_wait3A_386 = tpu.memref_slice %arg3[%dma_wait3A_384, %dma_wait3A_385] : memref<1000000x32xf32, #tpu.memory_space<hbm>> -> memref<1000000x32xf32, #tpu.memory_space<hbm>>
    tpu.wait_indirect_dma semaphore(%arg17 : memref<!tpu.dma_semaphore, #tpu.memory_space<semaphore_mem>>) src(%dma_wait3A_386 : memref<1000000x32xf32, #tpu.memory_space<hbm>>) dst(%dma_wait3A_381 : memref<128x32xf32, #tpu.memory_space<vmem>>)
    %dma_wait3A_387 = arith.constant 1536 : i32
    %dma_wait3A_388 = arith.constant 0 : i32
    %dma_wait3A_389 = tpu.memref_slice %arg14[%dma_wait3A_387, %dma_wait3A_388] : memref<2560x32xf32, #tpu.memory_space<vmem>> -> memref<128x32xf32, #tpu.memory_space<vmem>>
    %dma_wait3A_390 = arith.constant 1536 : i32
    %dma_wait3A_391 = tpu.memref_slice %arg11[%dma_wait3A_390] : memref<2560xi32, #tpu.memory_space<vmem>> -> memref<128xi32, #tpu.memory_space<vmem>>
    %dma_wait3A_392 = arith.constant 0 : i32
    %dma_wait3A_393 = arith.constant 0 : i32
    %dma_wait3A_394 = tpu.memref_slice %arg3[%dma_wait3A_392, %dma_wait3A_393] : memref<1000000x32xf32, #tpu.memory_space<hbm>> -> memref<1000000x32xf32, #tpu.memory_space<hbm>>
    tpu.wait_indirect_dma semaphore(%arg17 : memref<!tpu.dma_semaphore, #tpu.memory_space<semaphore_mem>>) src(%dma_wait3A_394 : memref<1000000x32xf32, #tpu.memory_space<hbm>>) dst(%dma_wait3A_389 : memref<128x32xf32, #tpu.memory_space<vmem>>)
    %dma_wait3A_395 = arith.constant 1664 : i32
    %dma_wait3A_396 = arith.constant 0 : i32
    %dma_wait3A_397 = tpu.memref_slice %arg14[%dma_wait3A_395, %dma_wait3A_396] : memref<2560x32xf32, #tpu.memory_space<vmem>> -> memref<128x32xf32, #tpu.memory_space<vmem>>
    %dma_wait3A_398 = arith.constant 1664 : i32
    %dma_wait3A_399 = tpu.memref_slice %arg11[%dma_wait3A_398] : memref<2560xi32, #tpu.memory_space<vmem>> -> memref<128xi32, #tpu.memory_space<vmem>>
    %dma_wait3A_400 = arith.constant 0 : i32
    %dma_wait3A_401 = arith.constant 0 : i32
    %dma_wait3A_402 = tpu.memref_slice %arg3[%dma_wait3A_400, %dma_wait3A_401] : memref<1000000x32xf32, #tpu.memory_space<hbm>> -> memref<1000000x32xf32, #tpu.memory_space<hbm>>
    tpu.wait_indirect_dma semaphore(%arg17 : memref<!tpu.dma_semaphore, #tpu.memory_space<semaphore_mem>>) src(%dma_wait3A_402 : memref<1000000x32xf32, #tpu.memory_space<hbm>>) dst(%dma_wait3A_397 : memref<128x32xf32, #tpu.memory_space<vmem>>)
    %dma_wait3A_403 = arith.constant 1792 : i32
    %dma_wait3A_404 = arith.constant 0 : i32
    %dma_wait3A_405 = tpu.memref_slice %arg14[%dma_wait3A_403, %dma_wait3A_404] : memref<2560x32xf32, #tpu.memory_space<vmem>> -> memref<128x32xf32, #tpu.memory_space<vmem>>
    %dma_wait3A_406 = arith.constant 1792 : i32
    %dma_wait3A_407 = tpu.memref_slice %arg11[%dma_wait3A_406] : memref<2560xi32, #tpu.memory_space<vmem>> -> memref<128xi32, #tpu.memory_space<vmem>>
    %dma_wait3A_408 = arith.constant 0 : i32
    %dma_wait3A_409 = arith.constant 0 : i32
    %dma_wait3A_410 = tpu.memref_slice %arg3[%dma_wait3A_408, %dma_wait3A_409] : memref<1000000x32xf32, #tpu.memory_space<hbm>> -> memref<1000000x32xf32, #tpu.memory_space<hbm>>
    tpu.wait_indirect_dma semaphore(%arg17 : memref<!tpu.dma_semaphore, #tpu.memory_space<semaphore_mem>>) src(%dma_wait3A_410 : memref<1000000x32xf32, #tpu.memory_space<hbm>>) dst(%dma_wait3A_405 : memref<128x32xf32, #tpu.memory_space<vmem>>)
    %dma_wait3A_411 = arith.constant 1920 : i32
    %dma_wait3A_412 = arith.constant 0 : i32
    %dma_wait3A_413 = tpu.memref_slice %arg14[%dma_wait3A_411, %dma_wait3A_412] : memref<2560x32xf32, #tpu.memory_space<vmem>> -> memref<128x32xf32, #tpu.memory_space<vmem>>
    %dma_wait3A_414 = arith.constant 1920 : i32
    %dma_wait3A_415 = tpu.memref_slice %arg11[%dma_wait3A_414] : memref<2560xi32, #tpu.memory_space<vmem>> -> memref<128xi32, #tpu.memory_space<vmem>>
    %dma_wait3A_416 = arith.constant 0 : i32
    %dma_wait3A_417 = arith.constant 0 : i32
    %dma_wait3A_418 = tpu.memref_slice %arg3[%dma_wait3A_416, %dma_wait3A_417] : memref<1000000x32xf32, #tpu.memory_space<hbm>> -> memref<1000000x32xf32, #tpu.memory_space<hbm>>
    tpu.wait_indirect_dma semaphore(%arg17 : memref<!tpu.dma_semaphore, #tpu.memory_space<semaphore_mem>>) src(%dma_wait3A_418 : memref<1000000x32xf32, #tpu.memory_space<hbm>>) dst(%dma_wait3A_413 : memref<128x32xf32, #tpu.memory_space<vmem>>)
    %dma_wait3A_419 = arith.constant 2048 : i32
    %dma_wait3A_420 = arith.constant 0 : i32
    %dma_wait3A_421 = tpu.memref_slice %arg14[%dma_wait3A_419, %dma_wait3A_420] : memref<2560x32xf32, #tpu.memory_space<vmem>> -> memref<128x32xf32, #tpu.memory_space<vmem>>
    %dma_wait3A_422 = arith.constant 2048 : i32
    %dma_wait3A_423 = tpu.memref_slice %arg11[%dma_wait3A_422] : memref<2560xi32, #tpu.memory_space<vmem>> -> memref<128xi32, #tpu.memory_space<vmem>>
    %dma_wait3A_424 = arith.constant 0 : i32
    %dma_wait3A_425 = arith.constant 0 : i32
    %dma_wait3A_426 = tpu.memref_slice %arg3[%dma_wait3A_424, %dma_wait3A_425] : memref<1000000x32xf32, #tpu.memory_space<hbm>> -> memref<1000000x32xf32, #tpu.memory_space<hbm>>
    tpu.wait_indirect_dma semaphore(%arg17 : memref<!tpu.dma_semaphore, #tpu.memory_space<semaphore_mem>>) src(%dma_wait3A_426 : memref<1000000x32xf32, #tpu.memory_space<hbm>>) dst(%dma_wait3A_421 : memref<128x32xf32, #tpu.memory_space<vmem>>)
    %dma_wait3A_427 = arith.constant 2176 : i32
    %dma_wait3A_428 = arith.constant 0 : i32
    %dma_wait3A_429 = tpu.memref_slice %arg14[%dma_wait3A_427, %dma_wait3A_428] : memref<2560x32xf32, #tpu.memory_space<vmem>> -> memref<128x32xf32, #tpu.memory_space<vmem>>
    %dma_wait3A_430 = arith.constant 2176 : i32
    %dma_wait3A_431 = tpu.memref_slice %arg11[%dma_wait3A_430] : memref<2560xi32, #tpu.memory_space<vmem>> -> memref<128xi32, #tpu.memory_space<vmem>>
    %dma_wait3A_432 = arith.constant 0 : i32
    %dma_wait3A_433 = arith.constant 0 : i32
    %dma_wait3A_434 = tpu.memref_slice %arg3[%dma_wait3A_432, %dma_wait3A_433] : memref<1000000x32xf32, #tpu.memory_space<hbm>> -> memref<1000000x32xf32, #tpu.memory_space<hbm>>
    tpu.wait_indirect_dma semaphore(%arg17 : memref<!tpu.dma_semaphore, #tpu.memory_space<semaphore_mem>>) src(%dma_wait3A_434 : memref<1000000x32xf32, #tpu.memory_space<hbm>>) dst(%dma_wait3A_429 : memref<128x32xf32, #tpu.memory_space<vmem>>)
    %dma_wait3A_435 = arith.constant 2304 : i32
    %dma_wait3A_436 = arith.constant 0 : i32
    %dma_wait3A_437 = tpu.memref_slice %arg14[%dma_wait3A_435, %dma_wait3A_436] : memref<2560x32xf32, #tpu.memory_space<vmem>> -> memref<128x32xf32, #tpu.memory_space<vmem>>
    %dma_wait3A_438 = arith.constant 2304 : i32
    %dma_wait3A_439 = tpu.memref_slice %arg11[%dma_wait3A_438] : memref<2560xi32, #tpu.memory_space<vmem>> -> memref<128xi32, #tpu.memory_space<vmem>>
    %dma_wait3A_440 = arith.constant 0 : i32
    %dma_wait3A_441 = arith.constant 0 : i32
    %dma_wait3A_442 = tpu.memref_slice %arg3[%dma_wait3A_440, %dma_wait3A_441] : memref<1000000x32xf32, #tpu.memory_space<hbm>> -> memref<1000000x32xf32, #tpu.memory_space<hbm>>
    tpu.wait_indirect_dma semaphore(%arg17 : memref<!tpu.dma_semaphore, #tpu.memory_space<semaphore_mem>>) src(%dma_wait3A_442 : memref<1000000x32xf32, #tpu.memory_space<hbm>>) dst(%dma_wait3A_437 : memref<128x32xf32, #tpu.memory_space<vmem>>)
    %dma_wait3A_443 = arith.constant 2432 : i32
    %dma_wait3A_444 = arith.constant 0 : i32
    %dma_wait3A_445 = tpu.memref_slice %arg14[%dma_wait3A_443, %dma_wait3A_444] : memref<2560x32xf32, #tpu.memory_space<vmem>> -> memref<128x32xf32, #tpu.memory_space<vmem>>
    %dma_wait3A_446 = arith.constant 2432 : i32
    %dma_wait3A_447 = tpu.memref_slice %arg11[%dma_wait3A_446] : memref<2560xi32, #tpu.memory_space<vmem>> -> memref<128xi32, #tpu.memory_space<vmem>>
    %dma_wait3A_448 = arith.constant 0 : i32
    %dma_wait3A_449 = arith.constant 0 : i32
    %dma_wait3A_450 = tpu.memref_slice %arg3[%dma_wait3A_448, %dma_wait3A_449] : memref<1000000x32xf32, #tpu.memory_space<hbm>> -> memref<1000000x32xf32, #tpu.memory_space<hbm>>
    tpu.wait_indirect_dma semaphore(%arg17 : memref<!tpu.dma_semaphore, #tpu.memory_space<semaphore_mem>>) src(%dma_wait3A_450 : memref<1000000x32xf32, #tpu.memory_space<hbm>>) dst(%dma_wait3A_445 : memref<128x32xf32, #tpu.memory_space<vmem>>)
    %iota3A = tpu.iota {dimensions = array<i32: 0>} : vector<16xi32>
    %broadcast_in_dim3A = arith.constant 0.000000e+00 : f32
    %broadcast_in_dim3A_451 = vector.broadcast %broadcast_in_dim3A : f32 to vector<16xf32>
    %scan3A = arith.constant 0 : i32
    %scan3A_452 = arith.constant 0 : i32
    %scan3A_453 = arith.constant 32 : i32
    %scan3A_454 = arith.addi %scan3A_452, %scan3A_453 : i32
    %scan3A_455 = arith.constant 1 : i32
    scf.for %scan3A_457 = %scan3A_452 to %scan3A_454 step %scan3A_455  : i32 {
      %mul3A_458 = arith.constant 16 : i32
      %mul3A_459 = arith.muli %scan3A_457, %mul3A_458 : i32
      %add3A_460 = vector.broadcast %mul3A_459 : i32 to vector<16xi32>
      %add3A_461 = arith.addi %add3A_460, %iota3A : vector<16xi32>
      %mul3A_462 = arith.constant 5 : i32
      %mul3A_463 = vector.broadcast %mul3A_462 : i32 to vector<16xi32>
      %mul3A_464 = arith.muli %add3A_461, %mul3A_463 : vector<16xi32>
      %scan3A_465 = arith.constant 0 : i32
      %scan3A_466 = arith.constant 32 : i32
      %scan3A_467 = arith.addi %scan3A_465, %scan3A_466 : i32
      %scan3A_468 = arith.constant 1 : i32
      %scan3A_469:2 = scf.for %scan3A_478 = %scan3A_465 to %scan3A_467 step %scan3A_468 iter_args(%scan3A_479 = %broadcast_in_dim3A_451, %scan3A_480 = %broadcast_in_dim3A_451) -> (vector<16xf32>, vector<16xf32>)  : i32 {
        %broadcast_in_dim3A_481 = vector.broadcast %scan3A_478 : i32 to vector<16xi32>
        %gather3A = tpu.vector_load_idx %arg12[%add3A_461, %broadcast_in_dim3A_481] : memref<512x32xf32, #tpu.memory_space<vmem>>[vector<16xi32>, vector<16xi32>], vector<16xf32>,
        %gather3A_482 = tpu.vector_load_idx %arg13[%add3A_461, %broadcast_in_dim3A_481] : memref<512x32xf32, #tpu.memory_space<vmem>>[vector<16xi32>, vector<16xi32>], vector<16xf32>,
        %gather3A_483 = tpu.vector_load_idx %arg14[%mul3A_464, %broadcast_in_dim3A_481] : memref<2560x32xf32, #tpu.memory_space<vmem>>[vector<16xi32>, vector<16xi32>], vector<16xf32>,
        %add3A_484 = arith.constant 1 : i32
        %add3A_485 = vector.broadcast %add3A_484 : i32 to vector<16xi32>
        %add3A_486 = arith.addi %mul3A_464, %add3A_485 : vector<16xi32>
        %gather3A_487 = tpu.vector_load_idx %arg14[%add3A_486, %broadcast_in_dim3A_481] : memref<2560x32xf32, #tpu.memory_space<vmem>>[vector<16xi32>, vector<16xi32>], vector<16xf32>,
        %add3A_488 = arith.addf %gather3A_483, %gather3A_487 : vector<16xf32>
        %add3A_489 = arith.constant 2 : i32
        %add3A_490 = vector.broadcast %add3A_489 : i32 to vector<16xi32>
        %add3A_491 = arith.addi %mul3A_464, %add3A_490 : vector<16xi32>
        %gather3A_492 = tpu.vector_load_idx %arg14[%add3A_491, %broadcast_in_dim3A_481] : memref<2560x32xf32, #tpu.memory_space<vmem>>[vector<16xi32>, vector<16xi32>], vector<16xf32>,
        %add3A_493 = arith.addf %add3A_488, %gather3A_492 : vector<16xf32>
        %add3A_494 = arith.constant 3 : i32
        %add3A_495 = vector.broadcast %add3A_494 : i32 to vector<16xi32>
        %add3A_496 = arith.addi %mul3A_464, %add3A_495 : vector<16xi32>
        %gather3A_497 = tpu.vector_load_idx %arg14[%add3A_496, %broadcast_in_dim3A_481] : memref<2560x32xf32, #tpu.memory_space<vmem>>[vector<16xi32>, vector<16xi32>], vector<16xf32>,
        %add3A_498 = arith.addf %add3A_493, %gather3A_497 : vector<16xf32>
        %add3A_499 = arith.constant 4 : i32
        %add3A_500 = vector.broadcast %add3A_499 : i32 to vector<16xi32>
        %add3A_501 = arith.addi %mul3A_464, %add3A_500 : vector<16xi32>
        %gather3A_502 = tpu.vector_load_idx %arg14[%add3A_501, %broadcast_in_dim3A_481] : memref<2560x32xf32, #tpu.memory_space<vmem>>[vector<16xi32>, vector<16xi32>], vector<16xf32>,
        %add3A_503 = arith.addf %add3A_498, %gather3A_502 : vector<16xf32>
        %mul3A_504 = arith.mulf %gather3A, %gather3A_482 : vector<16xf32>
        %add3A_505 = arith.addf %scan3A_479, %mul3A_504 : vector<16xf32>
        %mul3A_506 = arith.mulf %gather3A, %add3A_503 : vector<16xf32>
        %add3A_507 = arith.addf %scan3A_480, %mul3A_506 : vector<16xf32>
        scf.yield %add3A_505, %add3A_507 : vector<16xf32>, vector<16xf32>
      }
      %scan3A_470 = arith.constant 32 : i32
      %mul3A_471 = arith.constant 16 : i32
      %mul3A_472 = arith.muli %scan3A_457, %mul3A_471 : i32
      %swap3A = arith.index_cast %mul3A_472 : i32 to index
      %swap3A_473 = tpu.vector_load %arg15[%swap3A] {strides = array<i32>} : memref<512xf32, #tpu.memory_space<vmem>>, vector<16xf32>,
      tpu.vector_store %arg15[%swap3A], %scan3A_469#0 {strides = array<i32>} : memref<512xf32, #tpu.memory_space<vmem>>, vector<16xf32>,
      %mul3A_474 = arith.constant 16 : i32
      %mul3A_475 = arith.muli %scan3A_457, %mul3A_474 : i32
      %swap3A_476 = arith.index_cast %mul3A_475 : i32 to index
      %swap3A_477 = tpu.vector_load %arg16[%swap3A_476] {strides = array<i32>} : memref<512xf32, #tpu.memory_space<vmem>>, vector<16xf32>,
      tpu.vector_store %arg16[%swap3A_476], %scan3A_469#1 {strides = array<i32>} : memref<512xf32, #tpu.memory_space<vmem>>, vector<16xf32>,
    }
    %scan3A_456 = arith.constant 32 : i32
    "tpu.region"() ({
      %run_scoped3A = tpu.sem_alloc : memref<!tpu.dma_semaphore, #tpu.memory_space<semaphore_mem>>
      %dma_start3A_457 = tpu.memref_slice %arg7[%mul3A_2] : memref<16384xf32, #tpu.memory_space<hbm>> -> memref<512xf32, #tpu.memory_space<hbm>>
      %dma_start3A_458 = tpu.memref_slice %arg7[%mul3A_2] : memref<16384xf32, #tpu.memory_space<hbm>> -> memref<512xf32, #tpu.memory_space<hbm>>
      tpu.enqueue_dma source(%arg15 : memref<512xf32, #tpu.memory_space<vmem>>) target(%dma_start3A_458 : memref<512xf32, #tpu.memory_space<hbm>>) target_semaphore(%run_scoped3A : memref<!tpu.dma_semaphore, #tpu.memory_space<semaphore_mem>>)
      %dma_wait3A_459 = tpu.memref_slice %arg7[%mul3A_2] : memref<16384xf32, #tpu.memory_space<hbm>> -> memref<512xf32, #tpu.memory_space<hbm>>
      %dma_wait3A_460 = tpu.memref_slice %arg7[%mul3A_2] : memref<16384xf32, #tpu.memory_space<hbm>> -> memref<512xf32, #tpu.memory_space<hbm>>
      tpu.wait_dma2 semaphore(%run_scoped3A : memref<!tpu.dma_semaphore, #tpu.memory_space<semaphore_mem>>) src(%arg15 : memref<512xf32, #tpu.memory_space<vmem>>) dst(%dma_wait3A_460 : memref<512xf32, #tpu.memory_space<hbm>>)
      tpu.yield
    }) : () -> ()
    "tpu.region"() ({
      %run_scoped3A = tpu.sem_alloc : memref<!tpu.dma_semaphore, #tpu.memory_space<semaphore_mem>>
      %dma_start3A_457 = tpu.memref_slice %arg8[%mul3A_2] : memref<16384xf32, #tpu.memory_space<hbm>> -> memref<512xf32, #tpu.memory_space<hbm>>
      %dma_start3A_458 = tpu.memref_slice %arg8[%mul3A_2] : memref<16384xf32, #tpu.memory_space<hbm>> -> memref<512xf32, #tpu.memory_space<hbm>>
      tpu.enqueue_dma source(%arg16 : memref<512xf32, #tpu.memory_space<vmem>>) target(%dma_start3A_458 : memref<512xf32, #tpu.memory_space<hbm>>) target_semaphore(%run_scoped3A : memref<!tpu.dma_semaphore, #tpu.memory_space<semaphore_mem>>)
      %dma_wait3A_459 = tpu.memref_slice %arg8[%mul3A_2] : memref<16384xf32, #tpu.memory_space<hbm>> -> memref<512xf32, #tpu.memory_space<hbm>>
      %dma_wait3A_460 = tpu.memref_slice %arg8[%mul3A_2] : memref<16384xf32, #tpu.memory_space<hbm>> -> memref<512xf32, #tpu.memory_space<hbm>>
      tpu.wait_dma2 semaphore(%run_scoped3A : memref<!tpu.dma_semaphore, #tpu.memory_space<semaphore_mem>>) src(%arg16 : memref<512xf32, #tpu.memory_space<vmem>>) dst(%dma_wait3A_460 : memref<512xf32, #tpu.memory_space<hbm>>)
      tpu.yield
    }) : () -> ()
    return
  }
}

module attributes {stable_mosaic.version = 14 : i64} {
  func.func @body(%arg0: memref<128x128xf32, #tpu.memory_space<vmem>>, %arg1: memref<128x128xf32, #tpu.memory_space<vmem>>, %arg2: memref<1x1xf32, #tpu.memory_space<vmem>>) attributes {dimension_semantics = [], scalar_prefetch = 0 : i64, scratch_operands = 0 : i64, tpu.core_type = #tpu.core_type<tc>} {
    %get3A = arith.constant 0 : index
    %get3A_0 = arith.constant 0 : index
    %get3A_1 = vector.load %arg0[%get3A, %get3A_0] : memref<128x128xf32, #tpu.memory_space<vmem>>, vector<128x128xf32>
    %jit3A = arith.constant -1.000000e+01 : f32
    %jit3A_2 = arith.constant 1.000000e+01 : f32
    %max3A = vector.broadcast %jit3A : f32 to vector<128x128xf32>
    %max3A_3 = arith.maximumf %max3A, %get3A_1 : vector<128x128xf32>
    %min3A = vector.broadcast %jit3A_2 : f32 to vector<128x128xf32>
    %min3A_4 = arith.minimumf %min3A, %max3A_3 : vector<128x128xf32>
    %get3A_5 = arith.constant 0 : index
    %get3A_6 = arith.constant 0 : index
    %get3A_7 = vector.load %arg1[%get3A_5, %get3A_6] : memref<128x128xf32, #tpu.memory_space<vmem>>, vector<128x128xf32>
    %jit3A_8 = arith.constant -1.000000e+01 : f32
    %jit3A_9 = arith.constant 1.000000e+01 : f32
    %max3A_10 = vector.broadcast %jit3A_8 : f32 to vector<128x128xf32>
    %max3A_11 = arith.maximumf %max3A_10, %get3A_7 : vector<128x128xf32>
    %min3A_12 = vector.broadcast %jit3A_9 : f32 to vector<128x128xf32>
    %min3A_13 = arith.minimumf %min3A_12, %max3A_11 : vector<128x128xf32>
    %neg3A = arith.constant 0.000000e+00 : f32
    %neg3A_14 = vector.broadcast %neg3A : f32 to vector<128x128xf32>
    %neg3A_15 = arith.subf %neg3A_14, %min3A_4 : vector<128x128xf32>
    %exp3A = math.exp %neg3A_15 : vector<128x128xf32>
    %log1p3A = math.log1p %exp3A : vector<128x128xf32>
    %exp3A_16 = math.exp %min3A_13 : vector<128x128xf32>
    %log1p3A_17 = math.log1p %exp3A_16 : vector<128x128xf32>
    %add3A = arith.addf %log1p3A, %log1p3A_17 : vector<128x128xf32>
    %reduce_sum3A = vector.shape_cast %add3A : vector<128x128xf32> to vector<1x128x128xf32>
    %reduce_sum3A_18 = arith.constant dense<0.000000e+00> : vector<1xf32>
    %reduce_sum3A_19 = vector.multi_reduction <add>, %reduce_sum3A, %reduce_sum3A_18 [1, 2] : vector<1x128x128xf32> to vector<1xf32>
    %reduce_sum3A_20 = vector.shape_cast %reduce_sum3A_19 : vector<1xf32> to vector<1x1x1xf32>
    %reduce_sum3A_21 = vector.extract %reduce_sum3A_20[0, 0, 0] : f32 from vector<1x1x1xf32>
    %div3A = arith.constant 1.638400e+04 : f32
    %div3A_22 = arith.divf %reduce_sum3A_21, %div3A : f32
    %broadcast_in_dim3A = vector.broadcast %div3A_22 : f32 to vector<1x1xf32>
    %swap3A = arith.constant 0 : index
    %swap3A_23 = arith.constant 0 : index
    %swap3A_24 = vector.load %arg2[%swap3A, %swap3A_23] : memref<1x1xf32, #tpu.memory_space<vmem>>, vector<1x1xf32>
    tpu.vector_store %arg2[%swap3A, %swap3A_23], %broadcast_in_dim3A {strides = array<i32>} : memref<1x1xf32, #tpu.memory_space<vmem>>, vector<1x1xf32>,
    return
  }
}

</mosaic_0001>

<sc_bundles>
// kernel: kernel.4.cloned.1.call-start
scs
__scs_entry_jumppad:
0x0: {  	(pc) =	sbr.rel $0x88, $3  }
0x1: {  	(tag) =	ssettag $0x0;
	lr =	simm.s32 $0x1  }
0x2: {  	[smem:$0x3F9C] =	sst lr;
	_ =	strace $0xD0000000  }
0x3: {  	_ = 	snop  }
0x4: {  	_ = 	snop  }
0x5: {  	_ = 	snop  }
0x6: {  	_ = 	snop  }
0x7: {  	_ = 	snop  }
__scs_overlays_trampoline_lowered:
0x8: {  	[smem:$0x3FAB] =	sst s0  }
0x9: {  	[smem:$0x3FAC] =	sst s1  }
0xa: {  	[smem:$0x3FAD] =	sst s2  }
0xb: {  	[smem:$0x3FAE] =	sst s3  }
0xc: {  	[smem:$0x3FAF] =	sst s4  }
0xd: {  	[smem:$0x3FB0] =	sst s5  }
0xe: {  	[smem:$0x3FB1] =	sst s6  }
0xf: {  	[smem:$0x3FB2] =	sst s7  }
0x10: {  	[smem:$0x3FB3] =	sst s8  }
0x11: {  	[smem:$0x3FB4] =	sst s9;
	s0 =	simm.s32 @!p0 $0x0  }
0x12: {  	s1 =	sld [smem:$0x3F9A];
	s0 =	simm.s32 @p0 $0x1  }
0x13: {  	[smem:$0x3FB5] =	sst s0;
	s0 =	simm.s32 @!p1 $0x0  }
0x14: {  	s2 =	sld [smem:$0x3F99];
	s0 =	simm.s32 @p1 $0x1  }
0x15: {  	[smem:$0x3FB6] =	sst s0;
	s0 =	simm.s32 @!p2 $0x0  }
0x16: {  	s3 =	sld [smem:$0x3FDB];
	s0 =	simm.s32 @p2 $0x1  }
0x17: {  	s4 =	simm.s32 $0x1BF5;
	[smem:$0x3FB8] =	sst s0  }
0x18: {  	s0 =	sld [smem:$0x3F9B];
	_ =	swait.ge [sflag:s4], $0x0  }
0x19: {  	s7 =	sld [smem:$0x3F9C]  }
0x1a: {  	s8 =	sadd.s32 $0xFFFFE003, lr  }
0x1b: {  	s9 =	sadd.s32 $0xFFFFFEF7, lr;
	s5 =	simm.s32 $0xFFFFFFFF;
	p2 =	slt.u32 s8, $0xFFFFF086  }
0x1c: {  	p1 =	slt.u32 s9, $0xF7A;
	s5 =	simm.s32 @!p2 $0x0  }
0x1d: {  	s5 =	simm.s32 @p1 $0x1;
	p0 =	seq.s32 s7, s2  }
0x1e: {  	s7 =	smul.u32 @!p0 $0xF7A, s2;
	p2 =	seq.s32 @!p0 s5, $0x0  }
0x1f: {  	s9 =	smul.u32 $0xF7A, s1;
	s8 =	simm.s32 @!p0 $0x1BF5;
	p2 =	por !p2, p0  }
0x20: {  	[sflag:s8] =	ssyncset.s32 @!p0 $0xFFFFF086;
	s6 =	sadd.s32 @!p0 s3, s7;
	s7 =	simm.s32 @!p0 $0x108  }
0x21: {  	s3 =	sadd.s32 s3, s9;
	s6 =	sadd.s32 @!p0 $0x88, s6;
	s7 =	simm.s32 @p2 $0x1082  }
0x22: {  	[simem:s7], [sflag:s8] =	dma.local @!p0 [hbm:s6], $0xF7A  }
0x23: {  	s9 =	sor.u32 $0xD0000000, s2;
	s6 =	simm.s32 $0x108;
	_ =	swait.ge @!p0 [sflag:s8], $0x0  }
0x24: {  	s3 =	sadd.s32 $0x88, s3;
	s6 =	simm.s32 @!p1 $0x1082;
	[sflag:s4] =	ssyncset.s32 $0xFFFFF086  }
0x25: {  	[simem:s6], [sflag:s4] =	dma.local [hbm:s3], $0xF7A  }
0x26: {  	[smem:$0x3F9C] =	sst s1;
	(tag) =	ssettag s2;
	_ =	strace s9  }
0x27: {  	s1 =	sld [smem:$0x3FAC]  }
0x28: {  	s2 =	sld [smem:$0x3FAD]  }
0x29: {  	s4 =	sld [smem:$0x3FAF]  }
0x2a: {  	p0 =	seq.s32 s5, $0x0;
	s5 =	sld [smem:$0x3FB0]  }
0x2b: {  	s6 =	sld [smem:$0x3FB1]  }
0x2c: {  	s7 =	sld [smem:$0x3FB2]  }
0x2d: {  	s3 =	simm.s32 $0x108;
	s8 =	sld [smem:$0x3FB3]  }
0x2e: {  	s3 =	simm.s32 @!p0 $0x1082;
	s9 =	sld [smem:$0x3FB4]  }
0x2f: {  	lr =	sadd.s32 s0, s3;
	s0 =	sld [smem:$0x3FAB]  }
0x30: {  	s3 =	sld [smem:$0x3FAE]  }
0x31: {  	[smem:$0x3FB7] =	sst s10  }
0x32: {  	s10 =	sld [smem:$0x3FB5];
	_ =	sdelay $0x3  }
0x33: {  	p0 =	seq.s32 s10, $0x1;
	s10 =	sld [smem:$0x3FB7];
	_ =	sdelay $0x3  }
0x34: {  	[smem:$0x3FB7] =	sst s10  }
0x35: {  	s10 =	sld [smem:$0x3FB6];
	_ =	sdelay $0x3  }
0x36: {  	p1 =	seq.s32 s10, $0x1;
	s10 =	sld [smem:$0x3FB7];
	_ =	sdelay $0x3  }
0x37: {  	[smem:$0x3FB7] =	sst s10  }
0x38: {  	s10 =	sld [smem:$0x3FB8]  }
0x39: {  	_ = 	snop;
	(pc) =	sbr.ind lr, $3  }
0x3a: {  	_ = 	snop  }
0x3b: {  	_ = 	snop  }
0x3c: {  	p2 =	seq.s32 s10, $0x1;
	s10 =	sld [smem:$0x3FB7]  }
0x3d: {  	_ =	shalt  }
0x3e: {  	_ =	shalt  }
0x3f: {  	_ =	shalt  }
0x40: {  	_ =	shalt  }
0x41: {  	_ =	shalt  }
0x42: {  	_ =	shalt  }
0x43: {  	_ =	shalt  }
0x44: {  	_ =	shalt  }
0x45: {  	_ =	shalt  }
0x46: {  	_ =	shalt  }
0x47: {  	_ =	shalt  }
0x48: {  	_ =	shalt  }
0x49: {  	_ =	shalt  }
0x4a: {  	_ =	shalt  }
0x4b: {  	_ =	shalt  }
0x4c: {  	_ =	shalt  }
0x4d: {  	_ =	shalt  }
0x4e: {  	_ =	shalt  }
0x4f: {  	_ =	shalt  }
0x50: {  	_ =	shalt  }
0x51: {  	_ =	shalt  }
0x52: {  	_ =	shalt  }
0x53: {  	_ =	shalt  }
0x54: {  	_ =	shalt  }
0x55: {  	_ =	shalt  }
0x56: {  	_ =	shalt  }
0x57: {  	_ =	shalt  }
0x58: {  	_ =	shalt  }
0x59: {  	_ =	shalt  }
0x5a: {  	_ =	shalt  }
0x5b: {  	_ =	shalt  }
0x5c: {  	_ =	shalt  }
0x5d: {  	_ =	shalt  }
0x5e: {  	_ =	shalt  }
0x5f: {  	_ =	shalt  }
0x60: {  	_ =	shalt  }
0x61: {  	_ =	shalt  }
0x62: {  	_ =	shalt  }
0x63: {  	_ =	shalt  }
0x64: {  	_ =	shalt  }
0x65: {  	_ =	shalt  }
0x66: {  	_ =	shalt  }
0x67: {  	_ =	shalt  }
0x68: {  	_ =	shalt  }
0x69: {  	_ =	shalt  }
0x6a: {  	_ =	shalt  }
0x6b: {  	_ =	shalt  }
0x6c: {  	_ =	shalt  }
0x6d: {  	_ =	shalt  }
0x6e: {  	_ =	shalt  }
0x6f: {  	_ =	shalt  }
0x70: {  	_ =	shalt  }
0x71: {  	_ =	shalt  }
0x72: {  	_ =	shalt  }
0x73: {  	_ =	shalt  }
0x74: {  	_ =	shalt  }
0x75: {  	_ =	shalt  }
0x76: {  	_ =	shalt  }
0x77: {  	_ =	shalt  }
0x78: {  	_ =	shalt  }
0x79: {  	_ =	shalt  }
0x7a: {  	_ =	shalt  }
0x7b: {  	_ =	shalt  }
0x7c: {  	_ =	shalt  }
0x7d: {  	_ =	shalt  }
0x7e: {  	_ =	shalt  }
0x7f: {  	_ =	shalt  }
0x80: {  	_ =	shalt  }
0x81: {  	_ =	shalt  }
0x82: {  	_ =	shalt  }
0x83: {  	_ =	shalt  }
0x84: {  	_ =	shalt  }
0x85: {  	_ =	shalt  }
0x86: {  	_ =	shalt  }
0x87: {  	_ =	shalt  }
.Lfunc_end0:
.L_simem_size_0:
called_computation_lowered:
.L_overlay_start_0:
0x88: {  	s2 =	sld [smem:$0x3FD9]  }
0x89: {  	s3 =	sld [smem:$0x3FFE];
	_ =	sdelay $0x1  }
0x8a: {  	s1 =	srdreg.scid  }
0x8b: {  	s0 =	sand.u32 $0x1, s1  }
0x8c: {  	s17 =	sshll.u32 s0, $0xA;
	s2 =	sadd.s32 s3, s2  }
0x8d: {  	s2 =	sadd.s32 s2, s17  }
0x8e: {  	[smem:$0x3FC3] =	sst s2  }
0x8f: {  	_ = 	snop  }
0x90: {  	s2 =	sld [smem:$0x3FC7]  }
0x91: {  	s18 =	sld [smem:$0x3FC6];
	(tm) =	ssettm $0x1  }
0x92: {  	s4 =	sld [smem:$0x3FFB];
	_ =	sdelay $0x3  }
0x93: {  	_ =	strace s4  }
0x94: {  	s4 =	sld [smem:$0x3FFC];
	_ =	sdelay $0x3  }
0x95: {  	_ =	strace s4  }
0x96: {  	s4 =	sld [smem:$0x3FFD];
	_ =	sdelay $0x3  }
0x97: {  	_ =	strace s4  }
0x98: {  	_ =	strace $0x8FFFFFFF  }
0x99: {  	s19 =	sld [smem:$0x3FDB];
	_ =	sdelay $0x1  }
0x9a: {  	s5 =	simm.s32 $_scs_section_size  }
0x9b: {  	s6 =	simm.s32 $_size__tile_overlayer_lowered;
	s7 =	simm.s32 $_tile_overlayer_lowered  }
0x9c: {  	s22 =	simm.s32 $0x1BFF;
	s21 =	sshll.u32 s7, $0x1;
	s4 =	sadd.s32 s5, s19  }
0x9d: {  	s8 =	simm.s32 $0x0;
	s20 =	sshll.u32 s6, $0x1;
	s6 =	sadd.s32 s21, s4  }
0x9e: {  	[timem:s8], [sflag:s22] =	dma.local [hbm:s6], s20  }
0x9f: {  	_ =	swait.ge [sflag:s22], s20  }
0xa0: {  	s5 =	ssub.s32 $0x0, s20;
	[sflag:s22] =	ssyncset.done $0x0  }
0xa1: {  	[sflag:s22] =	ssyncadd.s32 s5;
	_ =	sdelay $0x1  }
0xa2: {  	s23 =	simm.s32 $0x1B8B  }
0xa3: {  	_ =	swait.ge [sflag:s23], $0x1  }
0xa4: {  	[sflag:s23] =	ssyncset.done $0x0  }
0xa5: {  	s25 =	simm.s32 $0x1B8E;
	s24 =	sld [smem:$0x3FFE];
	[sflag:s23] =	ssyncadd.s32 $0xFFFFFFFF  }
0xa6: {  	s26 =	simm.s32 $execute0_lowered;
	[smem:$0x3FD2] =	sst s25  }
0xa7: {  	s6 =	sshll.u32 s26, $0x1;
	_ =	strace $0x80000046;
	[dreg:$0x1] =	wrdreg $0xFFFFFFFF  }
0xa8: {  	s28 =	simm.s32 $_size_execute0_lowered;
	s4 =	sadd.s32 s4, s6;
	[dreg:$0x0] =	wrdreg $0x0  }
0xa9: {  	s6 =	sshll.u32 s28, $0x1;
	[dreg:$0x2] =	wrdreg s4  }
0xaa: {  	[dreg:$0x3] =	wrdreg s6  }
0xab: {  	[dreg:$0x4] =	wrdreg $0xC0  }
0xac: {  	_ =	task [dreg:s8], $0x5FFFF  }
0xad: {  	[dreg:$0x1] =	wrdreg $0xFFFFFFFF  }
0xae: {  	[dreg:$0x0] =	wrdreg $0x60  }
0xaf: {  	[dreg:$0x2] =	wrdreg s24  }
0xb0: {  	[dreg:$0x3] =	wrdreg s2  }
0xb1: {  	[dreg:$0x4] =	wrdreg s18  }
0xb2: {  	[dreg:$0x5] =	wrdreg $0x9  }
0xb3: {  	_ =	task.clear_ibuf [dreg:s8], $0x6FFFF;
	_ =	strace $0x90000046  }
0xb4: {  	s29 =	simm.s32 $0x9;
	_ =	strace $0x80000048  }
0xb5: {  	_ =	swait.ge [sflag:s29], $0x1  }
0xb6: {  	[sflag:s29] =	ssyncadd.s32 $0xFFFFFFFF  }
0xb7: {  	_ =	strace $0x90000048  }
0xb8: {  	_ =	sfence  }
0xb9: {  	s30 =	sld [smem:$0x0];
	_ =	sdelay $0x2  }
0xba: {  	s31 =	sshll.u32 s1, $0xD;
	s1 =	sshrl.u32 s1, $0x2  }
0xbb: {  	s3 =	sand.u32 $0x4000, s31;
	s1 =	sadd.s32 s1, s30  }
0xbc: {  	s0 =	sor.u32 s3, s0;
	s1 =	sshll.u32 s1, $0x11  }
0xbd: {  	s0 =	sor.u32 s1, s0  }
0xbe: {  	s0 =	sadd.s32 $0x8F2B, s0  }
0xbf: {  	[sflag:s0] =	ssyncadd.remote.s32 $0x1  }
0xc0: {  	_ =	sfence.sel $0xFFFF  }
0xc1: {  	[dreg:$0x0] =	wrdreg $0xFFFFFFFF;
	(pc) =	sbr.abs _section_cstart, $3  }
0xc2: {  	[dreg:$0x1] =	wrdreg $0xFFFFFFFF  }
0xc3: {  	_ =	task.clear_ibuf [dreg:s8], $0x2FFFF;
	_ =	strace $0x9FFFFFFF  }
0xc4: {  	(tm) =	ssettm $0x7FFFFFFF  }
0xc5: {  	_ =	shalt  }
tec
execute0_lowered:
.L_overlay_start_1:
0x0: {  	(tag) =	ssettag $0x1  }
0x1: {  	s0 =	rddreg [dreg:$0x0]  }
0x2: {  	s1 =	rddreg [dreg:$0x1]  }
0x3: {  	s6 =	rddreg [dreg:$0x2]  }
0x4: {  	s2 =	simm.s32 $0x0;
	s3 =	srdreg.scid;
	s5 =	stileid.u32  }
0x5: {  	s11 =	simm.s32 $0x2;
	s12 =	simm.s32 $0x200;
	s13 =	simm.s32 $0x400  }
0x6: {  	s14 =	simm.s32 $0x80;
	s15 =	simm.s32 $0xE00;
	s16 =	simm.s32 $0x4E00  }
0x7: {  	s29 =	simm.s32 $0x8E00;
	s30 =	simm.s32 $0xC00;
	s31 =	simm.s32 $0x18E00  }
0x8: {  	s17 =	simm.s32 $0xD00;
	s18 =	simm.s32 $0x1AE00;
	s19 =	simm.s32 $0xD80  }
0x9: {  	s20 =	simm.s32 $0x1BE00;
	s21 =	simm.s32 $0x1;
	s22 =	simm.s32 $0x1CE00  }
0xa: {  	s23 =	simm.s32 $0x1D000;
	s24 =	simm.s32 $0x0;
	[smem:$0x7FF] =	sst s2  }
0xb: {  	s4 =	sand.u32 $0x1, s3;
	s26 =	sshll.u32 s5, $0x1;
	s3 =	sadd.s32 $0x1313C00, s0  }
0xc: {  	_ =	strace $0x80000047;
	s5 =	sor.u32 s4, s26;
	s8 =	ssub.s32 $0x2, s4  }
0xd: {  	s7 =	smul.u32 $0x140, s5;
	s9 =	sshll.u32 s5, $0x6;
	s28 =	sshrl.u32 s8, $0x1  }
0xe: {  	s4 =	sadd.s32 $0xF43200, s0;
	s10 =	ssub.s32 s8, s28;
	s5 =	sadd.s32 s1, s9  }
0xf: {  	s6 =	sadd.s32 s6, s9;
	s1 =	simm.s32 $0x19E00;
	s7 =	sadd.s32 s7, s0  }
0x10: {  	s0 =	sadd.s32 s9, s0;
	s10 =	smax.u32 s10, $0x1;
	s7 =	sadd.s32 $0xE00, s7  }
0x11: {  	v0 =	vlaneseq.u32;
	s8 =	sadd.s32 $0x3600, s0;
	s9 =	sadd.s32 $0x3E00, s0;
	s0 =	simm.s32 $0xC80  }
.LBB2_1:
0x12: {  	[tilespmem:s2], [sflag:$0x2] =	stream.linear.gather [hbm4b:s5+s2], $0x200, $0x38;
	[tilespmem:$0x1D200] =	vst v63  }
0x13: {  	_ =	swait.ge [sflag:s11], $0x200  }
0x14: {  	[sflag:s11] =	ssyncset.done $0x0  }
0x15: {  	[sflag:s11] =	ssyncadd.s32 $0xFFFFFE00  }
0x16: {  	[tilespmem:s12], [sflag:$0x2] =	stream.linear.gather [hbm4b:s6+s2], $0x200, $0x38;
	[tilespmem:$0x1D200] =	vst v63  }
0x17: {  	_ =	swait.ge [sflag:s11], $0x200  }
0x18: {  	[sflag:s11] =	ssyncset.done $0x0  }
0x19: {  	[sflag:s11] =	ssyncadd.s32 $0xFFFFFE00  }
0x1a: {  	[tilespmem:s13], [sflag:$0x2] =	stream.linear.gather [hbm4b:s7+s2], $0xA00, $0x38;
	[tilespmem:$0x1D200] =	vst v63  }
0x1b: {  	_ =	swait.ge [sflag:s11], $0xA00  }
0x1c: {  	[sflag:s11] =	ssyncset.done $0x0  }
0x1d: {  	[sflag:s11] =	ssyncadd.s32 $0xFFFFF600  }
0x1e: {  	[tilespmem:s15], [sflag:$0x1] =	stream.indirect.gather [hbm4b:s3+s14], $0x20, s2, s14, $0xb8;
	[tilespmem:$0x1D200] =	vst v63  }
0x1f: {  	_ = 	snop  }
0x20: {  	[tilespmem:s16], [sflag:$0x1] =	stream.indirect.gather [hbm4b:s4+s14], $0x20, s12, s14, $0xb8;
	[tilespmem:$0x1D200] =	vst v63  }
0x21: {  	s25 =	simm.s32 $0x1E00  }
0x22: {  	[tilespmem:s25], [sflag:$0x1] =	stream.indirect.gather [hbm4b:s3+s14], $0x20, s14, s14, $0xb8;
	[tilespmem:$0x1D200] =	vst v63  }
0x23: {  	s28 =	simm.s32 $0x280;
	s26 =	simm.s32 $0x5E00  }
0x24: {  	[tilespmem:s26], [sflag:$0x1] =	stream.indirect.gather [hbm4b:s4+s14], $0x20, s28, s14, $0xb8;
	[tilespmem:$0x1D200] =	vst v63  }
0x25: {  	s26 =	simm.s32 $0x100;
	s28 =	simm.s32 $0x2E00  }
0x26: {  	[tilespmem:s28], [sflag:$0x1] =	stream.indirect.gather [hbm4b:s3+s14], $0x20, s26, s14, $0xb8;
	[tilespmem:$0x1D200] =	vst v63  }
0x27: {  	s26 =	simm.s32 $0x300;
	s28 =	simm.s32 $0x6E00  }
0x28: {  	[tilespmem:s28], [sflag:$0x1] =	stream.indirect.gather [hbm4b:s4+s14], $0x20, s26, s14, $0xb8;
	[tilespmem:$0x1D200] =	vst v63  }
0x29: {  	s26 =	simm.s32 $0x180;
	s28 =	simm.s32 $0x3E00  }
0x2a: {  	[tilespmem:s28], [sflag:$0x1] =	stream.indirect.gather [hbm4b:s3+s14], $0x20, s26, s14, $0xb8;
	[tilespmem:$0x1D200] =	vst v63  }
0x2b: {  	s26 =	simm.s32 $0x380;
	s28 =	simm.s32 $0x7E00  }
0x2c: {  	[tilespmem:s28], [sflag:$0x1] =	stream.indirect.gather [hbm4b:s4+s14], $0x20, s26, s14, $0xb8;
	[tilespmem:$0x1D200] =	vst v63  }
0x2d: {  	_ = 	snop  }
0x2e: {  	[tilespmem:s29], [sflag:$0x1] =	stream.indirect.gather [hbm4b:s4+s14], $0x20, s13, s14, $0xb8;
	[tilespmem:$0x1D200] =	vst v63  }
0x2f: {  	s26 =	simm.s32 $0x480;
	s28 =	simm.s32 $0x9E00  }
0x30: {  	[tilespmem:s28], [sflag:$0x1] =	stream.indirect.gather [hbm4b:s4+s14], $0x20, s26, s14, $0xb8;
	[tilespmem:$0x1D200] =	vst v63  }
0x31: {  	s26 =	simm.s32 $0x500;
	s28 =	simm.s32 $0xAE00  }
0x32: {  	[tilespmem:s28], [sflag:$0x1] =	stream.indirect.gather [hbm4b:s4+s14], $0x20, s26, s14, $0xb8;
	[tilespmem:$0x1D200] =	vst v63  }
0x33: {  	s26 =	simm.s32 $0x580;
	s28 =	simm.s32 $0xBE00  }
0x34: {  	[tilespmem:s28], [sflag:$0x1] =	stream.indirect.gather [hbm4b:s4+s14], $0x20, s26, s14, $0xb8;
	[tilespmem:$0x1D200] =	vst v63  }
0x35: {  	s26 =	simm.s32 $0x600;
	s28 =	simm.s32 $0xCE00  }
0x36: {  	[tilespmem:s28], [sflag:$0x1] =	stream.indirect.gather [hbm4b:s4+s14], $0x20, s26, s14, $0xb8;
	[tilespmem:$0x1D200] =	vst v63  }
0x37: {  	s26 =	simm.s32 $0x680;
	s28 =	simm.s32 $0xDE00  }
0x38: {  	[tilespmem:s28], [sflag:$0x1] =	stream.indirect.gather [hbm4b:s4+s14], $0x20, s26, s14, $0xb8;
	[tilespmem:$0x1D200] =	vst v63  }
0x39: {  	s26 =	simm.s32 $0x700;
	s28 =	simm.s32 $0xEE00  }
0x3a: {  	[tilespmem:s28], [sflag:$0x1] =	stream.indirect.gather [hbm4b:s4+s14], $0x20, s26, s14, $0xb8;
	[tilespmem:$0x1D200] =	vst v63  }
0x3b: {  	s26 =	simm.s32 $0x780;
	s28 =	simm.s32 $0xFE00  }
0x3c: {  	[tilespmem:s28], [sflag:$0x1] =	stream.indirect.gather [hbm4b:s4+s14], $0x20, s26, s14, $0xb8;
	[tilespmem:$0x1D200] =	vst v63  }
0x3d: {  	s26 =	simm.s32 $0x800;
	s28 =	simm.s32 $0x10E00  }
0x3e: {  	[tilespmem:s28], [sflag:$0x1] =	stream.indirect.gather [hbm4b:s4+s14], $0x20, s26, s14, $0xb8;
	[tilespmem:$0x1D200] =	vst v63  }
0x3f: {  	s26 =	simm.s32 $0x880;
	s28 =	simm.s32 $0x11E00  }
0x40: {  	[tilespmem:s28], [sflag:$0x1] =	stream.indirect.gather [hbm4b:s4+s14], $0x20, s26, s14, $0xb8;
	[tilespmem:$0x1D200] =	vst v63  }
0x41: {  	s26 =	simm.s32 $0x900;
	s28 =	simm.s32 $0x12E00  }
0x42: {  	[tilespmem:s28], [sflag:$0x1] =	stream.indirect.gather [hbm4b:s4+s14], $0x20, s26, s14, $0xb8;
	[tilespmem:$0x1D200] =	vst v63  }
0x43: {  	s26 =	simm.s32 $0x980;
	s28 =	simm.s32 $0x13E00  }
0x44: {  	[tilespmem:s28], [sflag:$0x1] =	stream.indirect.gather [hbm4b:s4+s14], $0x20, s26, s14, $0xb8;
	[tilespmem:$0x1D200] =	vst v63  }
0x45: {  	s26 =	simm.s32 $0xA00;
	s28 =	simm.s32 $0x14E00  }
0x46: {  	[tilespmem:s28], [sflag:$0x1] =	stream.indirect.gather [hbm4b:s4+s14], $0x20, s26, s14, $0xb8;
	[tilespmem:$0x1D200] =	vst v63  }
0x47: {  	s26 =	simm.s32 $0xA80;
	s28 =	simm.s32 $0x15E00  }
0x48: {  	[tilespmem:s28], [sflag:$0x1] =	stream.indirect.gather [hbm4b:s4+s14], $0x20, s26, s14, $0xb8;
	[tilespmem:$0x1D200] =	vst v63  }
0x49: {  	s26 =	simm.s32 $0xB00;
	s28 =	simm.s32 $0x16E00  }
0x4a: {  	[tilespmem:s28], [sflag:$0x1] =	stream.indirect.gather [hbm4b:s4+s14], $0x20, s26, s14, $0xb8;
	[tilespmem:$0x1D200] =	vst v63  }
0x4b: {  	s26 =	simm.s32 $0xB80;
	s28 =	simm.s32 $0x17E00  }
0x4c: {  	[tilespmem:s28], [sflag:$0x1] =	stream.indirect.gather [hbm4b:s4+s14], $0x20, s26, s14, $0xb8;
	[tilespmem:$0x1D200] =	vst v63  }
0x4d: {  	_ = 	snop  }
0x4e: {  	[tilespmem:s31], [sflag:$0x1] =	stream.indirect.gather [hbm4b:s4+s14], $0x20, s30, s14, $0xb8;
	[tilespmem:$0x1D200] =	vst v63  }
0x4f: {  	_ = 	snop  }
0x50: {  	[tilespmem:s1], [sflag:$0x1] =	stream.indirect.gather [hbm4b:s4+s14], $0x20, s0, s14, $0xb8;
	[tilespmem:$0x1D200] =	vst v63  }
0x51: {  	_ = 	snop  }
0x52: {  	[tilespmem:s18], [sflag:$0x1] =	stream.indirect.gather [hbm4b:s4+s14], $0x20, s17, s14, $0xb8;
	[tilespmem:$0x1D200] =	vst v63  }
0x53: {  	_ = 	snop  }
0x54: {  	[tilespmem:s20], [sflag:$0x1] =	stream.indirect.gather [hbm4b:s4+s14], $0x20, s19, s14, $0xb8;
	[tilespmem:$0x1D200] =	vst v63  }
0x55: {  	_ =	swait.ge [sflag:s21], $0x1000  }
0x56: {  	[sflag:s21] =	ssyncset.done $0x0  }
0x57: {  	[sflag:s21] =	ssyncadd.s32 $0xFFFFF000  }
0x58: {  	_ =	swait.ge [sflag:s21], $0x1000  }
0x59: {  	[sflag:s21] =	ssyncset.done $0x0  }
0x5a: {  	[sflag:s21] =	ssyncadd.s32 $0xFFFFF000  }
0x5b: {  	_ =	swait.ge [sflag:s21], $0x1000  }
0x5c: {  	[sflag:s21] =	ssyncset.done $0x0  }
0x5d: {  	[sflag:s21] =	ssyncadd.s32 $0xFFFFF000  }
0x5e: {  	_ =	swait.ge [sflag:s21], $0x1000  }
0x5f: {  	[sflag:s21] =	ssyncset.done $0x0  }
0x60: {  	[sflag:s21] =	ssyncadd.s32 $0xFFFFF000  }
0x61: {  	_ =	swait.ge [sflag:s21], $0x1000  }
0x62: {  	[sflag:s21] =	ssyncset.done $0x0  }
0x63: {  	[sflag:s21] =	ssyncadd.s32 $0xFFFFF000  }
0x64: {  	_ =	swait.ge [sflag:s21], $0x1000  }
0x65: {  	[sflag:s21] =	ssyncset.done $0x0  }
0x66: {  	[sflag:s21] =	ssyncadd.s32 $0xFFFFF000  }
0x67: {  	_ =	swait.ge [sflag:s21], $0x1000  }
0x68: {  	[sflag:s21] =	ssyncset.done $0x0  }
0x69: {  	[sflag:s21] =	ssyncadd.s32 $0xFFFFF000  }
0x6a: {  	_ =	swait.ge [sflag:s21], $0x1000  }
0x6b: {  	[sflag:s21] =	ssyncset.done $0x0  }
0x6c: {  	[sflag:s21] =	ssyncadd.s32 $0xFFFFF000  }
0x6d: {  	_ =	swait.ge [sflag:s21], $0x1000  }
0x6e: {  	[sflag:s21] =	ssyncset.done $0x0  }
0x6f: {  	[sflag:s21] =	ssyncadd.s32 $0xFFFFF000  }
0x70: {  	_ =	swait.ge [sflag:s21], $0x1000  }
0x71: {  	[sflag:s21] =	ssyncset.done $0x0  }
0x72: {  	[sflag:s21] =	ssyncadd.s32 $0xFFFFF000  }
0x73: {  	_ =	swait.ge [sflag:s21], $0x1000  }
0x74: {  	[sflag:s21] =	ssyncset.done $0x0  }
0x75: {  	[sflag:s21] =	ssyncadd.s32 $0xFFFFF000  }
0x76: {  	_ =	swait.ge [sflag:s21], $0x1000  }
0x77: {  	[sflag:s21] =	ssyncset.done $0x0  }
0x78: {  	[sflag:s21] =	ssyncadd.s32 $0xFFFFF000  }
0x79: {  	_ =	swait.ge [sflag:s21], $0x1000  }
0x7a: {  	[sflag:s21] =	ssyncset.done $0x0  }
0x7b: {  	[sflag:s21] =	ssyncadd.s32 $0xFFFFF000  }
0x7c: {  	_ =	swait.ge [sflag:s21], $0x1000  }
0x7d: {  	[sflag:s21] =	ssyncset.done $0x0  }
0x7e: {  	[sflag:s21] =	ssyncadd.s32 $0xFFFFF000  }
0x7f: {  	_ =	swait.ge [sflag:s21], $0x1000  }
0x80: {  	[sflag:s21] =	ssyncset.done $0x0  }
0x81: {  	[sflag:s21] =	ssyncadd.s32 $0xFFFFF000  }
0x82: {  	_ =	swait.ge [sflag:s21], $0x1000  }
0x83: {  	[sflag:s21] =	ssyncset.done $0x0  }
0x84: {  	[sflag:s21] =	ssyncadd.s32 $0xFFFFF000  }
0x85: {  	_ =	swait.ge [sflag:s21], $0x1000  }
0x86: {  	[sflag:s21] =	ssyncset.done $0x0  }
0x87: {  	[sflag:s21] =	ssyncadd.s32 $0xFFFFF000  }
0x88: {  	_ =	swait.ge [sflag:s21], $0x1000  }
0x89: {  	[sflag:s21] =	ssyncset.done $0x0  }
0x8a: {  	[sflag:s21] =	ssyncadd.s32 $0xFFFFF000  }
0x8b: {  	_ =	swait.ge [sflag:s21], $0x1000  }
0x8c: {  	[sflag:s21] =	ssyncset.done $0x0  }
0x8d: {  	[sflag:s21] =	ssyncadd.s32 $0xFFFFF000  }
0x8e: {  	_ =	swait.ge [sflag:s21], $0x1000  }
0x8f: {  	[sflag:s21] =	ssyncset.done $0x0  }
0x90: {  	[sflag:s21] =	ssyncadd.s32 $0xFFFFF000  }
0x91: {  	_ =	swait.ge [sflag:s21], $0x1000  }
0x92: {  	[sflag:s21] =	ssyncset.done $0x0  }
0x93: {  	[sflag:s21] =	ssyncadd.s32 $0xFFFFF000  }
0x94: {  	_ =	swait.ge [sflag:s21], $0x1000  }
0x95: {  	[sflag:s21] =	ssyncset.done $0x0  }
0x96: {  	[sflag:s21] =	ssyncadd.s32 $0xFFFFF000  }
0x97: {  	_ =	swait.ge [sflag:s21], $0x1000  }
0x98: {  	[sflag:s21] =	ssyncset.done $0x0  }
0x99: {  	[sflag:s21] =	ssyncadd.s32 $0xFFFFF000  }
0x9a: {  	_ =	swait.ge [sflag:s21], $0x1000  }
0x9b: {  	[sflag:s21] =	ssyncset.done $0x0  }
0x9c: {  	[sflag:s21] =	ssyncadd.s32 $0xFFFFF000  }
0x9d: {  	_ =	swait.ge [sflag:s21], $0x1000  }
0x9e: {  	[sflag:s21] =	ssyncset.done $0x0  }
0x9f: {  	[sflag:s21] =	ssyncadd.s32 $0xFFFFF000  }
0xa0: {  	_ =	swait.ge [sflag:s21], $0x1000  }
0xa1: {  	[sflag:s21] =	ssyncset.done $0x0  }
0xa2: {  	[sflag:s21] =	ssyncadd.s32 $0xFFFFF000  }
0xa3: {  	_ =	swait.ge [sflag:s21], $0x1000  }
0xa4: {  	[sflag:s21] =	ssyncset.done $0x0  }
0xa5: {  	[sflag:s21] =	ssyncadd.s32 $0xFFFFF000  }
0xa6: {  	_ =	swait.ge [sflag:s21], $0x1000  }
0xa7: {  	[sflag:s21] =	ssyncset.done $0x0  }
0xa8: {  	s25 =	simm.s32 $0x0;
	[sflag:s21] =	ssyncadd.s32 $0xFFFFF000  }
.LBB2_2:
0xa9: {  	s26 =	sshll.u32 s25, $0x4  }
0xaa: {  	v6 =	vor.u32 s26, v0  }
0xab: {  	s28 =	simm.s32 $0x0;
	v4 =	vmul.u32 $0xA0, v6  }
0xac: {  	v1 =	vmov s28  }
0xad: {  	v3 =	vand.u32 $0x1F, v1;
	v7 =	vand.u32 $0x18, v1;
	v2 =	vadd.s32 $0x20, v4  }
0xae: {  	s28 =	simm.s32 $0x1;
	v8 =	vand.u32 $0x7, v1;
	v9 =	vor.u32 v4, v3;
	v1 =	vor.u32 v2, v7  }
0xaf: {  	v12 =	vmov s28;
	v3 =	vadd.s32 $0x40, v4;
	v10 =	vor.u32 v8, v1  }
0xb0: {  	v14 =	vand.u32 $0x1F, v12;
	v5 =	vor.u32 v3, v7  }
0xb1: {  	v16 =	vand.u32 $0x18, v12;
	v1 =	vadd.s32 $0x60, v4;
	v11 =	vor.u32 v8, v5  }
0xb2: {  	v17 =	vand.u32 $0x7, v12;
	v14 =	vor.u32 v4, v14;
	v13 =	vor.u32 v1, v7  }
0xb3: {  	v12 =	vor.u32 v2, v16;
	v5 =	vadd.s32 $0x80, v4;
	v13 =	vor.u32 v8, v13;
	v9 =	vld.idx.msk [tilespmem:v9+s29+$0x0], $0xffff  }
0xb4: {  	v6 =	vshll.u32 v6, $0x5;
	v12 =	vor.u32 v17, v12;
	v15 =	vor.u32 v5, v7;
	v10 =	vld.idx.msk [tilespmem:v10+s29+$0x0], $0xffff  }
0xb5: {  	v7 =	vor.u32 v6, v7;
	v15 =	vor.u32 v8, v15  }
0xb6: {  	v7 =	vor.u32 v8, v7;
	v11 =	vld.idx.msk [tilespmem:v11+s29+$0x0], $0xffff  }
0xb7: {  	s28 =	simm.s32 $0x2;
	v14 =	vld.idx.msk [tilespmem:v14+s29+$0x0], $0xffff  }
0xb8: {  	v18 =	vmov s28;
	v8 =	vor.u32 v3, v16;
	v19 =	vld.idx.msk [tilespmem:v13+s29+$0x0], $0xffff  }
0xb9: {  	v20 =	vor.u32 v17, v8;
	v8 =	vor.u32 v1, v16;
	v24 =	vld.idx.msk [tilespmem:v12+s29+$0x0], $0xffff;
	v9 =	vadd.f32 v10, v9  }
0xba: {  	v22 =	vor.u32 v5, v16;
	v21 =	vor.u32 v17, v8;
	v15 =	vld.idx.msk [tilespmem:v15+s29+$0x0], $0xffff;
	v13 =	vand.u32 $0x1F, v18  }
0xbb: {  	v8 =	vld.idx.msk [tilespmem:v7+s15+$0x0], $0xffff;
	v23 =	vor.u32 v4, v13;
	v13 =	vand.u32 $0x18, v18;
	v9 =	vadd.f32 v11, v9  }
0xbc: {  	v22 =	vor.u32 v17, v22;
	v12 =	vld.idx.msk [tilespmem:v7+s16+$0x0], $0xffff;
	v7 =	vor.u32 v2, v13;
	v11 =	vor.u32 v6, v16  }
0xbd: {  	v10 =	vand.u32 $0x7, v18;
	v18 =	vor.u32 v17, v11;
	v9 =	vadd.f32 v19, v9  }
0xbe: {  	s28 =	simm.s32 $0x3;
	v26 =	vld.idx.msk [tilespmem:v20+s29+$0x0], $0xffff;
	v19 =	vor.u32 v10, v7  }
0xbf: {  	v20 =	vmov s28;
	v25 =	vor.u32 v3, v13;
	v11 =	vld.idx.msk [tilespmem:v21+s29+$0x0], $0xffff;
	v9 =	vadd.f32 v15, v9  }
0xc0: {  	v27 =	vand.u32 $0x1F, v20;
	v24 =	vadd.f32 v24, v14;
	v16 =	vld.idx.msk [tilespmem:v23+s29+$0x0], $0xffff;
	v21 =	vor.u32 v10, v25  }
0xc1: {  	v17 =	vand.u32 $0x7, v20;
	v23 =	vor.u32 v1, v13;
	v15 =	vld.idx.msk [tilespmem:v22+s29+$0x0], $0xffff;
	v9 =	vmul.f32 v9, v8  }
0xc2: {  	v25 =	vor.u32 v5, v13;
	v7 =	vimm.f32 $0.0e+00;
	v22 =	vor.u32 v10, v23;
	v14 =	vld.idx.msk [tilespmem:v18+s15+$0x0], $0xffff  }
0xc3: {  	s28 =	simm.s32 $0x4;
	v24 =	vadd.f32 v26, v24;
	v23 =	vor.u32 v4, v27;
	v19 =	vld.idx.msk [tilespmem:v19+s29+$0x0], $0xffff;
	v9 =	vadd.f32 v9, v7  }
.LBB2_3:
0xc4: {  	p0 =	sne.s32 s28, $0x1F;
	v26 =	vor.u32 v6, v13;
	v13 =	vand.u32 $0x18, v20;
	v25 =	vor.u32 v10, v25;
	v27 =	vld.idx.msk [tilespmem:v18+s16+$0x0], $0xffff  }
0xc5: {  	v20 =	vor.u32 v2, v13;
	v18 =	vor.u32 v10, v26;
	v26 =	vld.idx.msk [tilespmem:v21+s29+$0x0], $0xffff;
	v21 =	vadd.f32 v11, v24  }
0xc6: {  	v29 =	vmul.f32 v12, v8;
	v10 =	vmovc v17;
	v12 =	vmov v16;
	v24 =	vor.u32 v17, v20  }
.Ltmp0:
0xc7: {  	v28 =	vor.u32 v3, v13;
	v20 =	vmov s28;
	v11 =	vld.idx.msk [tilespmem:v22+s29+$0x0], $0xffff;
	v22 =	vadd.f32 v15, v21;
	(pc) =	sbr.rel @p0 .LBB2_3-.Ltmp0, $4  }
0xc8: {  	v7 =	vadd.f32 v29, v7;
	v17 =	vand.u32 $0x7, v20;
	v21 =	vor.u32 v10, v28;
	v8 =	vmovc v14;
	v16 =	vld.idx.msk [tilespmem:v23+s29+$0x0], $0xffff  }
0xc9: {  	v14 =	vor.u32 v1, v13;
	v28 =	vadd.f32 v19, v12;
	v15 =	vld.idx.msk [tilespmem:v25+s29+$0x0], $0xffff;
	v29 =	vmul.f32 v22, v8  }
0xca: {  	v19 =	vand.u32 $0x1F, v20;
	v22 =	vor.u32 v10, v14;
	v25 =	vor.u32 v5, v13;
	v12 =	vmovc v27;
	v14 =	vld.idx.msk [tilespmem:v18+s15+$0x0], $0xffff  }
0xcb: {  	s28 =	sadd.s32 $0x1, s28;
	v23 =	vor.u32 v4, v19;
	v19 =	vld.idx.msk [tilespmem:v24+s29+$0x0], $0xffff;
	v24 =	vadd.f32 v26, v28;
	v9 =	vadd.f32 v29, v9  }
0xcc: {  	_ =	sdelay $0x1  }
0xcd: {  	v4 =	vand.u32 $0x18, v20  }
0xce: {  	v50 =	vor.u32 v10, v25;
	v2 =	vor.u32 v2, v4  }
0xcf: {  	v13 =	vor.u32 v6, v13;
	v18 =	vld.idx.msk [tilespmem:v18+s16+$0x0], $0xffff;
	v2 =	vor.u32 v17, v2  }
0xd0: {  	v52 =	vld.idx.msk [tilespmem:v21+s29+$0x0], $0xffff;
	v51 =	vor.u32 v10, v13;
	v3 =	vor.u32 v3, v4  }
0xd1: {  	v53 =	vld.idx.msk [tilespmem:v22+s29+$0x0], $0xffff;
	v3 =	vor.u32 v17, v3  }
0xd2: {  	v54 =	vld.idx.msk [tilespmem:v23+s29+$0x0], $0xffff;
	v1 =	vor.u32 v1, v4  }
0xd3: {  	v5 =	vor.u32 v5, v4;
	v1 =	vor.u32 v17, v1;
	v20 =	vld.idx.msk [tilespmem:v50+s29+$0x0], $0xffff  }
0xd4: {  	v4 =	vor.u32 v6, v4;
	v5 =	vor.u32 v17, v5;
	v2 =	vld.idx.msk [tilespmem:v2+s29+$0x0], $0xffff  }
0xd5: {  	v4 =	vor.u32 v17, v4;
	v55 =	vld.idx.msk [tilespmem:v51+s15+$0x0], $0xffff  }
0xd6: {  	v3 =	vld.idx.msk [tilespmem:v3+s29+$0x0], $0xffff  }
0xd7: {  	v16 =	vadd.f32 v19, v16;
	v10 =	vld.idx.msk [tilespmem:v51+s16+$0x0], $0xffff  }
0xd8: {  	v11 =	vadd.f32 v11, v24;
	v1 =	vld.idx.msk [tilespmem:v1+s29+$0x0], $0xffff  }
0xd9: {  	v13 =	vadd.f32 v52, v16;
	v5 =	vld.idx.msk [tilespmem:v5+s29+$0x0], $0xffff;
	v2 =	vadd.f32 v2, v54  }
0xda: {  	v8 =	vmul.f32 v12, v8;
	v11 =	vadd.f32 v15, v11;
	v56 =	vld.idx.msk [tilespmem:v4+s15+$0x0], $0xffff  }
0xdb: {  	v13 =	vadd.f32 v53, v13;
	v2 =	vadd.f32 v3, v2;
	v3 =	vld.idx.msk [tilespmem:v4+s16+$0x0], $0xffff  }
0xdc: {  	v57 =	vadd.f32 v8, v7;
	v58 =	vmul.f32 v18, v14  }
0xdd: {  	v59 =	vmul.f32 v11, v14;
	v60 =	vadd.f32 v20, v13;
	v1 =	vadd.f32 v1, v2  }
0xde: {  	v61 =	vmul.f32 v10, v55;
	v2 =	vadd.f32 v58, v57  }
0xdf: {  	s25 =	sadd.s32 $0x1, s25;
	v62 =	vadd.f32 v59, v9;
	v6 =	vmul.f32 v60, v55;
	v1 =	vadd.f32 v5, v1  }
0xe0: {  	p0 =	sne.s32 s25, $0x20;
	v2 =	vadd.f32 v61, v2;
	v3 =	vmul.f32 v3, v56  }
.Ltmp1:
0xe1: {  	v63 =	vadd.f32 v6, v62;
	v1 =	vmul.f32 v1, v56;
	(pc) =	sbr.rel @p0 .LBB2_2-.Ltmp1, $4  }
0xe2: {  	v2 =	vadd.f32 v3, v2  }
0xe3: {  	v1 =	vadd.f32 v1, v63  }
0xe4: {  	[tilespmem:s26+$0x1CE00] =	vst v2  }
0xe5: {  	[tilespmem:s26+$0x1D000] =	vst v1  }
0xe6: {  	[hbm4b:s8+s2] =	stream.linear.scatter [tilespmem:s22], [sflag:$0x2], $0x200, $0x38;
	[tilespmem:$0x1D200] =	vst v63  }
0xe7: {  	s24 =	sadd.s32 $0x1, s24;
	_ =	swait.ge [sflag:s11], $0x200  }
0xe8: {  	p0 =	sne.s32 s24, s10;
	[sflag:s11] =	ssyncset.done $0x0  }
.Ltmp2:
0xe9: {  	[sflag:s11] =	ssyncadd.s32 $0xFFFFFE00;
	(pc) =	sbr.rel @p0 .LBB2_1-.Ltmp2, $4  }
0xea: {  	[hbm4b:s9+s2] =	stream.linear.scatter [tilespmem:s23], [sflag:$0x2], $0x200, $0x38;
	[tilespmem:$0x1D200] =	vst v63  }
0xeb: {  	_ =	swait.ge [sflag:s11], $0x200  }
0xec: {  	[sflag:s11] =	ssyncset.done $0x0  }
0xed: {  	[sflag:s11] =	ssyncadd.s32 $0xFFFFFE00  }
0xee: {  	_ =	sfence.sel $0x180000  }
0xef: {  	[bflag:$0x0] =	sbarrier.arrive $0xFFFF  }
0xf0: {  	_ =	strace $0x90000047  }
0xf1: {  	s0 =	stileid.u32;
	[bflag:$0x2] =	sbarrier.arrive $0xFFFF  }
0xf2: {  	p0 =	sne.s32 s0, $0x0;
	s0 =	rddreg [dreg:$0x3]  }
0xf3: {  	s0 =	sadd.s32 @!p0 $0x100000, s0  }
0xf4: {  	[sflag:s0] =	ssyncadd.tile.s32 @!p0 $0x1;
	_ =	shalt  }
.Lfunc_end2:
_tile_overlayer_lowered:
.L_overlay_start_2:
0xf5: {  	(tag) =	ssettag $0x2  }
0xf6: {  	s0 =	rddreg [dreg:$0x0];
	s2 =	stileid.u32  }
0xf7: {  	s1 =	rddreg [dreg:$0x1];
	p0 =	sne.s32 s2, $0x0  }
0xf8: {  	s3 =	rddreg [dreg:$0x2];
	[bflag:$0x3] =	sbarrier.arrive $0xFFFF;
	s2 =	simm.s32 @!p0 $0x1C02  }
0xf9: {  	[timem:s3], [sflag:s2] =	dma.local @!p0 [hbm:s0], s1  }
0xfa: {  	s0 =	simm.s32 @!p0 $0x2  }
0xfb: {  	_ =	swait.ge @!p0 [sflag:s0], s1  }
0xfc: {  	s1 =	ssub.s32 @!p0 $0x0, s1;
	[sflag:s0] =	ssyncset.done @!p0 $0x0  }
0xfd: {  	[sflag:s0] =	ssyncadd.s32 @!p0 s1  }
0xfe: {  	[bflag:$0x3] =	sbarrier.arrive $0xFFFF  }
0xff: {  	_ =	shalt  }

</sc_bundles>
